<compile_context>
chip_gen: v7x
topology: tpu7x:2x2x1
jax: 0.10.2.dev20260603
libtpu: 0.0.44.dev20260713+nightly
codegen_flags: <defaults>
</compile_context>

<pallas_src>
import functools

import jax
import jax.numpy as jnp
from jax import lax
from jax.experimental import pallas as pl
from jax.experimental.pallas import tpu as pltpu
from jax.experimental.pallas import tpu_sc as plsc


def _sc_pool_sum(idx, table, num_cores, num_subcores):
    B, C, K = idx.shape
    V, D = table.shape
    NV = D // 16
    BPW = B // (num_cores * num_subcores)
    R = C * K

    mesh = plsc.VectorSubcoreMesh(core_axis_name="c", subcore_axis_name="s")
    NBUF = 4

    @functools.partial(
        pl.kernel,
        mesh=mesh,
        out_type=jax.ShapeDtypeStruct((B, D), jnp.float32),
        scratch_types=[
            pltpu.VMEM((BPW, C, K), jnp.int32),
            pltpu.VMEM((NBUF, R, D), jnp.float32),
            pltpu.VMEM((BPW, D), jnp.float32),
            [pltpu.SemaphoreType.DMA] * NBUF,
        ],
        compiler_params=pltpu.CompilerParams(use_tc_tiling_on_sc=False),
    )
    def pool(idx_hbm, table_hbm, out_hbm, idx_v, rows_v, acc_v, sems):
        wid = lax.axis_index("s") * num_cores + lax.axis_index("c")
        base = wid * BPW
        pltpu.sync_copy(idx_hbm.at[pl.ds(base, BPW)], idx_v)

        def issue(b, slot):
            for c in range(C):
                pltpu.make_async_copy(
                    table_hbm.at[idx_v.at[b, c]],
                    rows_v.at[slot, pl.ds(c * K, K)],
                    sems[slot],
                ).start()

        def wait_slot(slot):
            pltpu.make_async_copy(
                table_hbm.at[pl.ds(0, R)], rows_v.at[slot], sems[slot]
            ).wait()

        for slot in range(NBUF):
            issue(slot, slot)

        zero = jnp.zeros((16,), jnp.float32)

        def group_body(g, carry):
            for slot in range(NBUF):
                b = g * NBUF + slot
                wait_slot(slot)

                def acc_body(r, acc):
                    return tuple(
                        acc[v] + rows_v[slot, r, pl.ds(16 * v, 16)]
                        for v in range(NV)
                    )

                acc = lax.fori_loop(0, R, acc_body, (zero,) * NV, unroll=8)
                for v in range(NV):
                    acc_v[b, pl.ds(16 * v, 16)] = acc[v]

                nb = b + NBUF

                @pl.when(nb < BPW)
                def _():
                    issue(nb, slot)

            return carry

        lax.fori_loop(0, BPW // NBUF, group_body, 0)
        pltpu.sync_copy(acc_v, out_hbm.at[pl.ds(base, BPW)])

    return pool(idx, table)


def _mask_correct_mlp(inputs, sums, table0, W1, b1, W2, b2, pad_per_row):
    B, L = inputs.shape
    D = sums.shape[1]
    H = W1.shape[1]
    BLK = 1024

    def body(inp_ref, sums_ref, t0_ref, W1_ref, b1_ref, W2_ref, b2_ref, out_ref):
        cnt = jnp.sum(
            (inp_ref[...] == 0).astype(jnp.float32), axis=1, keepdims=True
        )
        pooled = sums_ref[...] - (cnt + pad_per_row) * t0_ref[...]
        h = jnp.tanh(
            jnp.dot(pooled, W1_ref[...], preferred_element_type=jnp.float32)
            + b1_ref[...]
        )
        out_ref[...] = (
            jnp.dot(h, W2_ref[...], preferred_element_type=jnp.float32)
            + b2_ref[...]
        )

    return pl.pallas_call(
        body,
        grid=(B // BLK,),
        in_specs=[
            pl.BlockSpec((BLK, L), lambda i: (i, 0)),
            pl.BlockSpec((BLK, D), lambda i: (i, 0)),
            pl.BlockSpec((1, D), lambda i: (0, 0)),
            pl.BlockSpec((D, H), lambda i: (0, 0)),
            pl.BlockSpec((1, H), lambda i: (0, 0)),
            pl.BlockSpec((H, D), lambda i: (0, 0)),
            pl.BlockSpec((1, D), lambda i: (0, 0)),
        ],
        out_specs=pl.BlockSpec((BLK, D), lambda i: (i, 0)),
        out_shape=jax.ShapeDtypeStruct((B, D), jnp.float32),
    )(inputs, sums, table0, W1, b1, W2, b2)


def kernel(inputs, table, W1, b1, W2, b2):
    B, L = inputs.shape
    info = plsc.get_sparse_core_info()

    K = 104
    C = -(-L // K)
    pad = C * K - L
    idx = jnp.pad(inputs, ((0, 0), (0, pad))).reshape(B, C, K)

    sums = _sc_pool_sum(idx, table, info.num_cores, info.num_subcores)
    return _mask_correct_mlp(
        inputs,
        sums,
        table[0:1],
        W1,
        b1.reshape(1, -1),
        W2,
        b2.reshape(1, -1),
        float(pad),
    )

# --- scband reference (transcript-rebuilt; emitter-appended) ---
"""Pipeline reference for scband-set-embedding-55757265436686 (READ-ONLY COPY).

The authoritative reference and input builder live on the scoring server;
editing this copy changes nothing except your own understanding.
"""

import jax, jax.numpy as jnp
import numpy as np

NUM_ITEMS = 1000000
EMBED_DIMS = 64
FINAL_DIMS = 64
BATCH = 4096
HIST_LEN = 200


def setup_inputs(seed: int = 0) -> dict:
    key = jax.random.key(seed)
    k1, k2, k3, k4 = jax.random.split(key, 4)
    inputs = jax.random.randint(k1, (BATCH, HIST_LEN), 0, NUM_ITEMS, dtype=jnp.int32)
    table = jax.random.normal(k2, (NUM_ITEMS, EMBED_DIMS), dtype=jnp.float32) * 0.02
    W1 = jax.random.normal(k3, (EMBED_DIMS, 2 * EMBED_DIMS), dtype=jnp.float32) * (1.0 / np.sqrt(EMBED_DIMS))
    b1 = jnp.zeros((2 * EMBED_DIMS,), dtype=jnp.float32)
    W2 = jax.random.normal(k4, (2 * EMBED_DIMS, FINAL_DIMS), dtype=jnp.float32) * (1.0 / np.sqrt(2 * EMBED_DIMS))
    b2 = jnp.zeros((FINAL_DIMS,), dtype=jnp.float32)
    return {"inputs": inputs, "table": table, "W1": W1, "b1": b1, "W2": W2, "b2": b2}


def reference(inputs, table, W1, b1, W2, b2):
    # Embedding lookup (gather) — dominant memory-bound op
    item_embeds = jnp.take(table, inputs, axis=0)  # [B, L, D]
    # Mask out index 0 (mask_zero semantics replicated by explicit (inputs > 0) mask in call)
    mask = (inputs > 0).astype(jnp.float32)[..., None]  # [B, L, 1]
    summed_embeds = jnp.sum(item_embeds * mask, axis=1)  # [B, D]
    upcast_2x = jnp.tanh(summed_embeds @ W1 + b1)  # [B, 2D]
    out = upcast_2x @ W2 + b2  # [B, final]
    return out

if __name__ == "__main__":
    import jax
    _d = setup_inputs()
    print(jax.jit(kernel)(*tuple(_d.values())))

</pallas_src>

<mosaic_0001>
#map = affine_map<(d0, d1) -> (0, 0, 0)>
#map1 = affine_map<(d0, d1) -> (0, 0)>
module attributes {stable_mosaic.version = 14 : i64} {
  func.func @pool(%arg0: i32, %arg1: i32, %arg2: memref<4096x2x104xi32, #tpu.memory_space<hbm>>, %arg3: memref<1000000x64xf32, #tpu.memory_space<hbm>>, %arg4: memref<4096x64xf32, #tpu.memory_space<hbm>>, %arg5: memref<128x2x104xi32, #tpu.memory_space<vmem>>, %arg6: memref<4x208x64xf32, #tpu.memory_space<vmem>>, %arg7: memref<128x64xf32, #tpu.memory_space<vmem>>, %arg8: memref<!tpu.dma_semaphore, #tpu.memory_space<semaphore_mem>>, %arg9: memref<!tpu.dma_semaphore, #tpu.memory_space<semaphore_mem>>, %arg10: memref<!tpu.dma_semaphore, #tpu.memory_space<semaphore_mem>>, %arg11: memref<!tpu.dma_semaphore, #tpu.memory_space<semaphore_mem>>) attributes {dimension_semantics = [#tpu.dimension_semantics<core_parallel>, #tpu.dimension_semantics<subcore_parallel>], iteration_bounds = array<i64: 2, 16>, scalar_prefetch = 0 : i64, scratch_operands = 7 : i64, tpu.core_type = #tpu.core_type<sc_vector_subcore>, window_params = [{transform_indices = #map}, {transform_indices = #map1}, {transform_indices = #map1}]} {
    %mul3A = arith.constant 2 : i32
    %mul3A_0 = arith.muli %arg1, %mul3A : i32
    %add3A = arith.addi %mul3A_0, %arg0 : i32
    %mul3A_1 = arith.constant 128 : i32
    %mul3A_2 = arith.muli %add3A, %mul3A_1 : i32
    "tpu.region"() ({
      %run_scoped3A = tpu.sem_alloc : memref<!tpu.dma_semaphore, #tpu.memory_space<semaphore_mem>>
      %dma_start3A_112 = arith.constant 0 : i32
      %dma_start3A_113 = arith.constant 0 : i32
      %dma_start3A_114 = tpu.memref_slice %arg2[%mul3A_2, %dma_start3A_112, %dma_start3A_113] : memref<4096x2x104xi32, #tpu.memory_space<hbm>> -> memref<128x2x104xi32, #tpu.memory_space<hbm>>
      %dma_start3A_115 = arith.constant 0 : i32
      %dma_start3A_116 = arith.constant 0 : i32
      %dma_start3A_117 = tpu.memref_slice %arg2[%mul3A_2, %dma_start3A_115, %dma_start3A_116] : memref<4096x2x104xi32, #tpu.memory_space<hbm>> -> memref<128x2x104xi32, #tpu.memory_space<hbm>>
      tpu.enqueue_dma source(%dma_start3A_117 : memref<128x2x104xi32, #tpu.memory_space<hbm>>) target(%arg5 : memref<128x2x104xi32, #tpu.memory_space<vmem>>) target_semaphore(%run_scoped3A : memref<!tpu.dma_semaphore, #tpu.memory_space<semaphore_mem>>)
      %dma_wait3A = arith.constant 0 : i32
      %dma_wait3A_118 = arith.constant 0 : i32
      %dma_wait3A_119 = tpu.memref_slice %arg2[%mul3A_2, %dma_wait3A, %dma_wait3A_118] : memref<4096x2x104xi32, #tpu.memory_space<hbm>> -> memref<128x2x104xi32, #tpu.memory_space<hbm>>
      %dma_wait3A_120 = arith.constant 0 : i32
      %dma_wait3A_121 = arith.constant 0 : i32
      %dma_wait3A_122 = tpu.memref_slice %arg2[%mul3A_2, %dma_wait3A_120, %dma_wait3A_121] : memref<4096x2x104xi32, #tpu.memory_space<hbm>> -> memref<128x2x104xi32, #tpu.memory_space<hbm>>
      tpu.wait_dma2 semaphore(%run_scoped3A : memref<!tpu.dma_semaphore, #tpu.memory_space<semaphore_mem>>) src(%dma_wait3A_122 : memref<128x2x104xi32, #tpu.memory_space<hbm>>) dst(%arg5 : memref<128x2x104xi32, #tpu.memory_space<vmem>>)
      tpu.yield
    }) : () -> ()
    %dma_start3A = arith.constant 0 : i32
    %dma_start3A_3 = arith.constant 0 : i32
    %dma_start3A_4 = arith.constant 0 : i32
    %dma_start3A_5 = arith.constant 0 : i32
    %dma_start3A_6 = arith.constant 0 : i32
    %dma_start3A_7 = tpu.memref_slice %arg6[%dma_start3A_4, %dma_start3A_5, %dma_start3A_6] : memref<4x208x64xf32, #tpu.memory_space<vmem>> -> memref<1x104x64xf32, #tpu.memory_space<vmem>>
    %dma_start3A_8 = tpu.memref_squeeze %dma_start3A_7 : memref<1x104x64xf32, #tpu.memory_space<vmem>> -> memref<104x64xf32, #tpu.memory_space<vmem>>
    %dma_start3A_9 = arith.constant 0 : i32
    %dma_start3A_10 = tpu.memref_slice %arg5[%dma_start3A, %dma_start3A_3, %dma_start3A_9] : memref<128x2x104xi32, #tpu.memory_space<vmem>> -> memref<1x1x104xi32, #tpu.memory_space<vmem>>
    %dma_start3A_11 = tpu.memref_squeeze %dma_start3A_10 : memref<1x1x104xi32, #tpu.memory_space<vmem>> -> memref<104xi32, #tpu.memory_space<vmem>>
    %dma_start3A_12 = arith.constant 0 : i32
    %dma_start3A_13 = arith.constant 0 : i32
    %dma_start3A_14 = tpu.memref_slice %arg3[%dma_start3A_12, %dma_start3A_13] : memref<1000000x64xf32, #tpu.memory_space<hbm>> -> memref<1000000x64xf32, #tpu.memory_space<hbm>>
    tpu.enqueue_indirect_dma source(%dma_start3A_14 : memref<1000000x64xf32, #tpu.memory_space<hbm>>) target(%dma_start3A_8 : memref<104x64xf32, #tpu.memory_space<vmem>>) offsets(%dma_start3A_11 : memref<104xi32, #tpu.memory_space<vmem>>) semaphore(%arg8 : memref<!tpu.dma_semaphore, #tpu.memory_space<semaphore_mem>>)
    %dma_start3A_15 = arith.constant 0 : i32
    %dma_start3A_16 = arith.constant 1 : i32
    %dma_start3A_17 = arith.constant 0 : i32
    %dma_start3A_18 = arith.constant 104 : i32
    %dma_start3A_19 = arith.constant 0 : i32
    %dma_start3A_20 = tpu.memref_slice %arg6[%dma_start3A_17, %dma_start3A_18, %dma_start3A_19] : memref<4x208x64xf32, #tpu.memory_space<vmem>> -> memref<1x104x64xf32, #tpu.memory_space<vmem>>
    %dma_start3A_21 = tpu.memref_squeeze %dma_start3A_20 : memref<1x104x64xf32, #tpu.memory_space<vmem>> -> memref<104x64xf32, #tpu.memory_space<vmem>>
    %dma_start3A_22 = arith.constant 0 : i32
    %dma_start3A_23 = tpu.memref_slice %arg5[%dma_start3A_15, %dma_start3A_16, %dma_start3A_22] : memref<128x2x104xi32, #tpu.memory_space<vmem>> -> memref<1x1x104xi32, #tpu.memory_space<vmem>>
    %dma_start3A_24 = tpu.memref_squeeze %dma_start3A_23 : memref<1x1x104xi32, #tpu.memory_space<vmem>> -> memref<104xi32, #tpu.memory_space<vmem>>
    %dma_start3A_25 = arith.constant 0 : i32
    %dma_start3A_26 = arith.constant 0 : i32
    %dma_start3A_27 = tpu.memref_slice %arg3[%dma_start3A_25, %dma_start3A_26] : memref<1000000x64xf32, #tpu.memory_space<hbm>> -> memref<1000000x64xf32, #tpu.memory_space<hbm>>
    tpu.enqueue_indirect_dma source(%dma_start3A_27 : memref<1000000x64xf32, #tpu.memory_space<hbm>>) target(%dma_start3A_21 : memref<104x64xf32, #tpu.memory_space<vmem>>) offsets(%dma_start3A_24 : memref<104xi32, #tpu.memory_space<vmem>>) semaphore(%arg8 : memref<!tpu.dma_semaphore, #tpu.memory_space<semaphore_mem>>)
    %dma_start3A_28 = arith.constant 1 : i32
    %dma_start3A_29 = arith.constant 0 : i32
    %dma_start3A_30 = arith.constant 1 : i32
    %dma_start3A_31 = arith.constant 0 : i32
    %dma_start3A_32 = arith.constant 0 : i32
    %dma_start3A_33 = tpu.memref_slice %arg6[%dma_start3A_30, %dma_start3A_31, %dma_start3A_32] : memref<4x208x64xf32, #tpu.memory_space<vmem>> -> memref<1x104x64xf32, #tpu.memory_space<vmem>>
    %dma_start3A_34 = tpu.memref_squeeze %dma_start3A_33 : memref<1x104x64xf32, #tpu.memory_space<vmem>> -> memref<104x64xf32, #tpu.memory_space<vmem>>
    %dma_start3A_35 = arith.constant 0 : i32
    %dma_start3A_36 = tpu.memref_slice %arg5[%dma_start3A_28, %dma_start3A_29, %dma_start3A_35] : memref<128x2x104xi32, #tpu.memory_space<vmem>> -> memref<1x1x104xi32, #tpu.memory_space<vmem>>
    %dma_start3A_37 = tpu.memref_squeeze %dma_start3A_36 : memref<1x1x104xi32, #tpu.memory_space<vmem>> -> memref<104xi32, #tpu.memory_space<vmem>>
    %dma_start3A_38 = arith.constant 0 : i32
    %dma_start3A_39 = arith.constant 0 : i32
    %dma_start3A_40 = tpu.memref_slice %arg3[%dma_start3A_38, %dma_start3A_39] : memref<1000000x64xf32, #tpu.memory_space<hbm>> -> memref<1000000x64xf32, #tpu.memory_space<hbm>>
    tpu.enqueue_indirect_dma source(%dma_start3A_40 : memref<1000000x64xf32, #tpu.memory_space<hbm>>) target(%dma_start3A_34 : memref<104x64xf32, #tpu.memory_space<vmem>>) offsets(%dma_start3A_37 : memref<104xi32, #tpu.memory_space<vmem>>) semaphore(%arg9 : memref<!tpu.dma_semaphore, #tpu.memory_space<semaphore_mem>>)
    %dma_start3A_41 = arith.constant 1 : i32
    %dma_start3A_42 = arith.constant 1 : i32
    %dma_start3A_43 = arith.constant 1 : i32
    %dma_start3A_44 = arith.constant 104 : i32
    %dma_start3A_45 = arith.constant 0 : i32
    %dma_start3A_46 = tpu.memref_slice %arg6[%dma_start3A_43, %dma_start3A_44, %dma_start3A_45] : memref<4x208x64xf32, #tpu.memory_space<vmem>> -> memref<1x104x64xf32, #tpu.memory_space<vmem>>
    %dma_start3A_47 = tpu.memref_squeeze %dma_start3A_46 : memref<1x104x64xf32, #tpu.memory_space<vmem>> -> memref<104x64xf32, #tpu.memory_space<vmem>>
    %dma_start3A_48 = arith.constant 0 : i32
    %dma_start3A_49 = tpu.memref_slice %arg5[%dma_start3A_41, %dma_start3A_42, %dma_start3A_48] : memref<128x2x104xi32, #tpu.memory_space<vmem>> -> memref<1x1x104xi32, #tpu.memory_space<vmem>>
    %dma_start3A_50 = tpu.memref_squeeze %dma_start3A_49 : memref<1x1x104xi32, #tpu.memory_space<vmem>> -> memref<104xi32, #tpu.memory_space<vmem>>
    %dma_start3A_51 = arith.constant 0 : i32
    %dma_start3A_52 = arith.constant 0 : i32
    %dma_start3A_53 = tpu.memref_slice %arg3[%dma_start3A_51, %dma_start3A_52] : memref<1000000x64xf32, #tpu.memory_space<hbm>> -> memref<1000000x64xf32, #tpu.memory_space<hbm>>
    tpu.enqueue_indirect_dma source(%dma_start3A_53 : memref<1000000x64xf32, #tpu.memory_space<hbm>>) target(%dma_start3A_47 : memref<104x64xf32, #tpu.memory_space<vmem>>) offsets(%dma_start3A_50 : memref<104xi32, #tpu.memory_space<vmem>>) semaphore(%arg9 : memref<!tpu.dma_semaphore, #tpu.memory_space<semaphore_mem>>)
    %dma_start3A_54 = arith.constant 2 : i32
    %dma_start3A_55 = arith.constant 0 : i32
    %dma_start3A_56 = arith.constant 2 : i32
    %dma_start3A_57 = arith.constant 0 : i32
    %dma_start3A_58 = arith.constant 0 : i32
    %dma_start3A_59 = tpu.memref_slice %arg6[%dma_start3A_56, %dma_start3A_57, %dma_start3A_58] : memref<4x208x64xf32, #tpu.memory_space<vmem>> -> memref<1x104x64xf32, #tpu.memory_space<vmem>>
    %dma_start3A_60 = tpu.memref_squeeze %dma_start3A_59 : memref<1x104x64xf32, #tpu.memory_space<vmem>> -> memref<104x64xf32, #tpu.memory_space<vmem>>
    %dma_start3A_61 = arith.constant 0 : i32
    %dma_start3A_62 = tpu.memref_slice %arg5[%dma_start3A_54, %dma_start3A_55, %dma_start3A_61] : memref<128x2x104xi32, #tpu.memory_space<vmem>> -> memref<1x1x104xi32, #tpu.memory_space<vmem>>
    %dma_start3A_63 = tpu.memref_squeeze %dma_start3A_62 : memref<1x1x104xi32, #tpu.memory_space<vmem>> -> memref<104xi32, #tpu.memory_space<vmem>>
    %dma_start3A_64 = arith.constant 0 : i32
    %dma_start3A_65 = arith.constant 0 : i32
    %dma_start3A_66 = tpu.memref_slice %arg3[%dma_start3A_64, %dma_start3A_65] : memref<1000000x64xf32, #tpu.memory_space<hbm>> -> memref<1000000x64xf32, #tpu.memory_space<hbm>>
    tpu.enqueue_indirect_dma source(%dma_start3A_66 : memref<1000000x64xf32, #tpu.memory_space<hbm>>) target(%dma_start3A_60 : memref<104x64xf32, #tpu.memory_space<vmem>>) offsets(%dma_start3A_63 : memref<104xi32, #tpu.memory_space<vmem>>) semaphore(%arg10 : memref<!tpu.dma_semaphore, #tpu.memory_space<semaphore_mem>>)
    %dma_start3A_67 = arith.constant 2 : i32
    %dma_start3A_68 = arith.constant 1 : i32
    %dma_start3A_69 = arith.constant 2 : i32
    %dma_start3A_70 = arith.constant 104 : i32
    %dma_start3A_71 = arith.constant 0 : i32
    %dma_start3A_72 = tpu.memref_slice %arg6[%dma_start3A_69, %dma_start3A_70, %dma_start3A_71] : memref<4x208x64xf32, #tpu.memory_space<vmem>> -> memref<1x104x64xf32, #tpu.memory_space<vmem>>
    %dma_start3A_73 = tpu.memref_squeeze %dma_start3A_72 : memref<1x104x64xf32, #tpu.memory_space<vmem>> -> memref<104x64xf32, #tpu.memory_space<vmem>>
    %dma_start3A_74 = arith.constant 0 : i32
    %dma_start3A_75 = tpu.memref_slice %arg5[%dma_start3A_67, %dma_start3A_68, %dma_start3A_74] : memref<128x2x104xi32, #tpu.memory_space<vmem>> -> memref<1x1x104xi32, #tpu.memory_space<vmem>>
    %dma_start3A_76 = tpu.memref_squeeze %dma_start3A_75 : memref<1x1x104xi32, #tpu.memory_space<vmem>> -> memref<104xi32, #tpu.memory_space<vmem>>
    %dma_start3A_77 = arith.constant 0 : i32
    %dma_start3A_78 = arith.constant 0 : i32
    %dma_start3A_79 = tpu.memref_slice %arg3[%dma_start3A_77, %dma_start3A_78] : memref<1000000x64xf32, #tpu.memory_space<hbm>> -> memref<1000000x64xf32, #tpu.memory_space<hbm>>
    tpu.enqueue_indirect_dma source(%dma_start3A_79 : memref<1000000x64xf32, #tpu.memory_space<hbm>>) target(%dma_start3A_73 : memref<104x64xf32, #tpu.memory_space<vmem>>) offsets(%dma_start3A_76 : memref<104xi32, #tpu.memory_space<vmem>>) semaphore(%arg10 : memref<!tpu.dma_semaphore, #tpu.memory_space<semaphore_mem>>)
    %dma_start3A_80 = arith.constant 3 : i32
    %dma_start3A_81 = arith.constant 0 : i32
    %dma_start3A_82 = arith.constant 3 : i32
    %dma_start3A_83 = arith.constant 0 : i32
    %dma_start3A_84 = arith.constant 0 : i32
    %dma_start3A_85 = tpu.memref_slice %arg6[%dma_start3A_82, %dma_start3A_83, %dma_start3A_84] : memref<4x208x64xf32, #tpu.memory_space<vmem>> -> memref<1x104x64xf32, #tpu.memory_space<vmem>>
    %dma_start3A_86 = tpu.memref_squeeze %dma_start3A_85 : memref<1x104x64xf32, #tpu.memory_space<vmem>> -> memref<104x64xf32, #tpu.memory_space<vmem>>
    %dma_start3A_87 = arith.constant 0 : i32
    %dma_start3A_88 = tpu.memref_slice %arg5[%dma_start3A_80, %dma_start3A_81, %dma_start3A_87] : memref<128x2x104xi32, #tpu.memory_space<vmem>> -> memref<1x1x104xi32, #tpu.memory_space<vmem>>
    %dma_start3A_89 = tpu.memref_squeeze %dma_start3A_88 : memref<1x1x104xi32, #tpu.memory_space<vmem>> -> memref<104xi32, #tpu.memory_space<vmem>>
    %dma_start3A_90 = arith.constant 0 : i32
    %dma_start3A_91 = arith.constant 0 : i32
    %dma_start3A_92 = tpu.memref_slice %arg3[%dma_start3A_90, %dma_start3A_91] : memref<1000000x64xf32, #tpu.memory_space<hbm>> -> memref<1000000x64xf32, #tpu.memory_space<hbm>>
    tpu.enqueue_indirect_dma source(%dma_start3A_92 : memref<1000000x64xf32, #tpu.memory_space<hbm>>) target(%dma_start3A_86 : memref<104x64xf32, #tpu.memory_space<vmem>>) offsets(%dma_start3A_89 : memref<104xi32, #tpu.memory_space<vmem>>) semaphore(%arg11 : memref<!tpu.dma_semaphore, #tpu.memory_space<semaphore_mem>>)
    %dma_start3A_93 = arith.constant 3 : i32
    %dma_start3A_94 = arith.constant 1 : i32
    %dma_start3A_95 = arith.constant 3 : i32
    %dma_start3A_96 = arith.constant 104 : i32
    %dma_start3A_97 = arith.constant 0 : i32
    %dma_start3A_98 = tpu.memref_slice %arg6[%dma_start3A_95, %dma_start3A_96, %dma_start3A_97] : memref<4x208x64xf32, #tpu.memory_space<vmem>> -> memref<1x104x64xf32, #tpu.memory_space<vmem>>
    %dma_start3A_99 = tpu.memref_squeeze %dma_start3A_98 : memref<1x104x64xf32, #tpu.memory_space<vmem>> -> memref<104x64xf32, #tpu.memory_space<vmem>>
    %dma_start3A_100 = arith.constant 0 : i32
    %dma_start3A_101 = tpu.memref_slice %arg5[%dma_start3A_93, %dma_start3A_94, %dma_start3A_100] : memref<128x2x104xi32, #tpu.memory_space<vmem>> -> memref<1x1x104xi32, #tpu.memory_space<vmem>>
    %dma_start3A_102 = tpu.memref_squeeze %dma_start3A_101 : memref<1x1x104xi32, #tpu.memory_space<vmem>> -> memref<104xi32, #tpu.memory_space<vmem>>
    %dma_start3A_103 = arith.constant 0 : i32
    %dma_start3A_104 = arith.constant 0 : i32
    %dma_start3A_105 = tpu.memref_slice %arg3[%dma_start3A_103, %dma_start3A_104] : memref<1000000x64xf32, #tpu.memory_space<hbm>> -> memref<1000000x64xf32, #tpu.memory_space<hbm>>
    tpu.enqueue_indirect_dma source(%dma_start3A_105 : memref<1000000x64xf32, #tpu.memory_space<hbm>>) target(%dma_start3A_99 : memref<104x64xf32, #tpu.memory_space<vmem>>) offsets(%dma_start3A_102 : memref<104xi32, #tpu.memory_space<vmem>>) semaphore(%arg11 : memref<!tpu.dma_semaphore, #tpu.memory_space<semaphore_mem>>)
    %broadcast_in_dim3A = arith.constant 0.000000e+00 : f32
    %broadcast_in_dim3A_106 = vector.broadcast %broadcast_in_dim3A : f32 to vector<16xf32>
    %scan3A = arith.constant 0 : i32
    %scan3A_107 = arith.constant 0 : i32
    %scan3A_108 = arith.constant 32 : i32
    %scan3A_109 = arith.addi %scan3A_107, %scan3A_108 : i32
    %scan3A_110 = arith.constant 1 : i32
    scf.for %scan3A_112 = %scan3A_107 to %scan3A_109 step %scan3A_110  : i32 {
      %mul3A_113 = arith.constant 4 : i32
      %mul3A_114 = arith.muli %scan3A_112, %mul3A_113 : i32
      %add3A_115 = arith.constant 0 : i32
      %add3A_116 = arith.addi %mul3A_114, %add3A_115 : i32
      %dma_wait3A = arith.constant 0 : i32
      %dma_wait3A_117 = arith.constant 0 : i32
      %dma_wait3A_118 = arith.constant 0 : i32
      %dma_wait3A_119 = tpu.memref_slice %arg6[%dma_wait3A, %dma_wait3A_117, %dma_wait3A_118] : memref<4x208x64xf32, #tpu.memory_space<vmem>> -> memref<1x208x64xf32, #tpu.memory_space<vmem>>
      %dma_wait3A_120 = tpu.memref_squeeze %dma_wait3A_119 : memref<1x208x64xf32, #tpu.memory_space<vmem>> -> memref<208x64xf32, #tpu.memory_space<vmem>>
      %dma_wait3A_121 = arith.constant 0 : i32
      %dma_wait3A_122 = arith.constant 0 : i32
      %dma_wait3A_123 = tpu.memref_slice %arg3[%dma_wait3A_121, %dma_wait3A_122] : memref<1000000x64xf32, #tpu.memory_space<hbm>> -> memref<208x64xf32, #tpu.memory_space<hbm>>
      %dma_wait3A_124 = arith.constant 0 : i32
      %dma_wait3A_125 = arith.constant 0 : i32
      %dma_wait3A_126 = tpu.memref_slice %arg6[%dma_wait3A, %dma_wait3A_124, %dma_wait3A_125] : memref<4x208x64xf32, #tpu.memory_space<vmem>> -> memref<1x208x64xf32, #tpu.memory_space<vmem>>
      %dma_wait3A_127 = tpu.memref_squeeze %dma_wait3A_126 : memref<1x208x64xf32, #tpu.memory_space<vmem>> -> memref<208x64xf32, #tpu.memory_space<vmem>>
      %dma_wait3A_128 = arith.constant 0 : i32
      %dma_wait3A_129 = arith.constant 0 : i32
      %dma_wait3A_130 = tpu.memref_slice %arg3[%dma_wait3A_128, %dma_wait3A_129] : memref<1000000x64xf32, #tpu.memory_space<hbm>> -> memref<208x64xf32, #tpu.memory_space<hbm>>
      tpu.wait_dma2 semaphore(%arg8 : memref<!tpu.dma_semaphore, #tpu.memory_space<semaphore_mem>>) src(%dma_wait3A_130 : memref<208x64xf32, #tpu.memory_space<hbm>>) dst(%dma_wait3A_127 : memref<208x64xf32, #tpu.memory_space<vmem>>)
      %scan3A_131 = arith.constant 0 : i32
      %scan3A_132 = arith.constant 208 : i32
      %scan3A_133 = arith.addi %scan3A_131, %scan3A_132 : i32
      %scan3A_134 = arith.constant 8 : i32
      %scan3A_135:4 = scf.for %scan3A_316 = %scan3A_131 to %scan3A_133 step %scan3A_134 iter_args(%scan3A_317 = %broadcast_in_dim3A_106, %scan3A_318 = %broadcast_in_dim3A_106, %scan3A_319 = %broadcast_in_dim3A_106, %scan3A_320 = %broadcast_in_dim3A_106) -> (vector<16xf32>, vector<16xf32>, vector<16xf32>, vector<16xf32>)  : i32 {
        %get3A = arith.constant 0 : i32
        %get3A_321 = arith.index_cast %get3A : i32 to index
        %get3A_322 = arith.index_cast %scan3A_316 : i32 to index
        %get3A_323 = arith.constant 0 : index
        %get3A_324 = tpu.vector_load %arg6[%get3A_321, %get3A_322, %get3A_323] {strides = array<i32>} : memref<4x208x64xf32, #tpu.memory_space<vmem>>, vector<1x1x16xf32>,
        %get3A_325 = vector.shape_cast %get3A_324 : vector<1x1x16xf32> to vector<16xf32>
        %add3A_326 = arith.addf %scan3A_317, %get3A_325 : vector<16xf32>
        %get3A_327 = arith.constant 0 : i32
        %get3A_328 = arith.index_cast %get3A_327 : i32 to index
        %get3A_329 = arith.index_cast %scan3A_316 : i32 to index
        %get3A_330 = arith.constant 16 : index
        %get3A_331 = tpu.vector_load %arg6[%get3A_328, %get3A_329, %get3A_330] {strides = array<i32>} : memref<4x208x64xf32, #tpu.memory_space<vmem>>, vector<1x1x16xf32>,
        %get3A_332 = vector.shape_cast %get3A_331 : vector<1x1x16xf32> to vector<16xf32>
        %add3A_333 = arith.addf %scan3A_318, %get3A_332 : vector<16xf32>
        %get3A_334 = arith.constant 0 : i32
        %get3A_335 = arith.index_cast %get3A_334 : i32 to index
        %get3A_336 = arith.index_cast %scan3A_316 : i32 to index
        %get3A_337 = arith.constant 32 : index
        %get3A_338 = tpu.vector_load %arg6[%get3A_335, %get3A_336, %get3A_337] {strides = array<i32>} : memref<4x208x64xf32, #tpu.memory_space<vmem>>, vector<1x1x16xf32>,
        %get3A_339 = vector.shape_cast %get3A_338 : vector<1x1x16xf32> to vector<16xf32>
        %add3A_340 = arith.addf %scan3A_319, %get3A_339 : vector<16xf32>
        %get3A_341 = arith.constant 0 : i32
        %get3A_342 = arith.index_cast %get3A_341 : i32 to index
        %get3A_343 = arith.index_cast %scan3A_316 : i32 to index
        %get3A_344 = arith.constant 48 : index
        %get3A_345 = tpu.vector_load %arg6[%get3A_342, %get3A_343, %get3A_344] {strides = array<i32>} : memref<4x208x64xf32, #tpu.memory_space<vmem>>, vector<1x1x16xf32>,
        %get3A_346 = vector.shape_cast %get3A_345 : vector<1x1x16xf32> to vector<16xf32>
        %add3A_347 = arith.addf %scan3A_320, %get3A_346 : vector<16xf32>
        %scan3A_348 = arith.constant 1 : i32
        %scan3A_349 = arith.addi %scan3A_316, %scan3A_348 : i32
        %get3A_350 = arith.constant 0 : i32
        %get3A_351 = arith.index_cast %get3A_350 : i32 to index
        %get3A_352 = arith.index_cast %scan3A_349 : i32 to index
        %get3A_353 = arith.constant 0 : index
        %get3A_354 = tpu.vector_load %arg6[%get3A_351, %get3A_352, %get3A_353] {strides = array<i32>} : memref<4x208x64xf32, #tpu.memory_space<vmem>>, vector<1x1x16xf32>,
        %get3A_355 = vector.shape_cast %get3A_354 : vector<1x1x16xf32> to vector<16xf32>
        %add3A_356 = arith.addf %add3A_326, %get3A_355 : vector<16xf32>
        %get3A_357 = arith.constant 0 : i32
        %get3A_358 = arith.index_cast %get3A_357 : i32 to index
        %get3A_359 = arith.index_cast %scan3A_349 : i32 to index
        %get3A_360 = arith.constant 16 : index
        %get3A_361 = tpu.vector_load %arg6[%get3A_358, %get3A_359, %get3A_360] {strides = array<i32>} : memref<4x208x64xf32, #tpu.memory_space<vmem>>, vector<1x1x16xf32>,
        %get3A_362 = vector.shape_cast %get3A_361 : vector<1x1x16xf32> to vector<16xf32>
        %add3A_363 = arith.addf %add3A_333, %get3A_362 : vector<16xf32>
        %get3A_364 = arith.constant 0 : i32
        %get3A_365 = arith.index_cast %get3A_364 : i32 to index
        %get3A_366 = arith.index_cast %scan3A_349 : i32 to index
        %get3A_367 = arith.constant 32 : index
        %get3A_368 = tpu.vector_load %arg6[%get3A_365, %get3A_366, %get3A_367] {strides = array<i32>} : memref<4x208x64xf32, #tpu.memory_space<vmem>>, vector<1x1x16xf32>,
        %get3A_369 = vector.shape_cast %get3A_368 : vector<1x1x16xf32> to vector<16xf32>
        %add3A_370 = arith.addf %add3A_340, %get3A_369 : vector<16xf32>
        %get3A_371 = arith.constant 0 : i32
        %get3A_372 = arith.index_cast %get3A_371 : i32 to index
        %get3A_373 = arith.index_cast %scan3A_349 : i32 to index
        %get3A_374 = arith.constant 48 : index
        %get3A_375 = tpu.vector_load %arg6[%get3A_372, %get3A_373, %get3A_374] {strides = array<i32>} : memref<4x208x64xf32, #tpu.memory_space<vmem>>, vector<1x1x16xf32>,
        %get3A_376 = vector.shape_cast %get3A_375 : vector<1x1x16xf32> to vector<16xf32>
        %add3A_377 = arith.addf %add3A_347, %get3A_376 : vector<16xf32>
        %scan3A_378 = arith.constant 2 : i32
        %scan3A_379 = arith.addi %scan3A_316, %scan3A_378 : i32
        %get3A_380 = arith.constant 0 : i32
        %get3A_381 = arith.index_cast %get3A_380 : i32 to index
        %get3A_382 = arith.index_cast %scan3A_379 : i32 to index
        %get3A_383 = arith.constant 0 : index
        %get3A_384 = tpu.vector_load %arg6[%get3A_381, %get3A_382, %get3A_383] {strides = array<i32>} : memref<4x208x64xf32, #tpu.memory_space<vmem>>, vector<1x1x16xf32>,
        %get3A_385 = vector.shape_cast %get3A_384 : vector<1x1x16xf32> to vector<16xf32>
        %add3A_386 = arith.addf %add3A_356, %get3A_385 : vector<16xf32>
        %get3A_387 = arith.constant 0 : i32
        %get3A_388 = arith.index_cast %get3A_387 : i32 to index
        %get3A_389 = arith.index_cast %scan3A_379 : i32 to index
        %get3A_390 = arith.constant 16 : index
        %get3A_391 = tpu.vector_load %arg6[%get3A_388, %get3A_389, %get3A_390] {strides = array<i32>} : memref<4x208x64xf32, #tpu.memory_space<vmem>>, vector<1x1x16xf32>,
        %get3A_392 = vector.shape_cast %get3A_391 : vector<1x1x16xf32> to vector<16xf32>
        %add3A_393 = arith.addf %add3A_363, %get3A_392 : vector<16xf32>
        %get3A_394 = arith.constant 0 : i32
        %get3A_395 = arith.index_cast %get3A_394 : i32 to index
        %get3A_396 = arith.index_cast %scan3A_379 : i32 to index
        %get3A_397 = arith.constant 32 : index
        %get3A_398 = tpu.vector_load %arg6[%get3A_395, %get3A_396, %get3A_397] {strides = array<i32>} : memref<4x208x64xf32, #tpu.memory_space<vmem>>, vector<1x1x16xf32>,
        %get3A_399 = vector.shape_cast %get3A_398 : vector<1x1x16xf32> to vector<16xf32>
        %add3A_400 = arith.addf %add3A_370, %get3A_399 : vector<16xf32>
        %get3A_401 = arith.constant 0 : i32
        %get3A_402 = arith.index_cast %get3A_401 : i32 to index
        %get3A_403 = arith.index_cast %scan3A_379 : i32 to index
        %get3A_404 = arith.constant 48 : index
        %get3A_405 = tpu.vector_load %arg6[%get3A_402, %get3A_403, %get3A_404] {strides = array<i32>} : memref<4x208x64xf32, #tpu.memory_space<vmem>>, vector<1x1x16xf32>,
        %get3A_406 = vector.shape_cast %get3A_405 : vector<1x1x16xf32> to vector<16xf32>
        %add3A_407 = arith.addf %add3A_377, %get3A_406 : vector<16xf32>
        %scan3A_408 = arith.constant 3 : i32
        %scan3A_409 = arith.addi %scan3A_316, %scan3A_408 : i32
        %get3A_410 = arith.constant 0 : i32
        %get3A_411 = arith.index_cast %get3A_410 : i32 to index
        %get3A_412 = arith.index_cast %scan3A_409 : i32 to index
        %get3A_413 = arith.constant 0 : index
        %get3A_414 = tpu.vector_load %arg6[%get3A_411, %get3A_412, %get3A_413] {strides = array<i32>} : memref<4x208x64xf32, #tpu.memory_space<vmem>>, vector<1x1x16xf32>,
        %get3A_415 = vector.shape_cast %get3A_414 : vector<1x1x16xf32> to vector<16xf32>
        %add3A_416 = arith.addf %add3A_386, %get3A_415 : vector<16xf32>
        %get3A_417 = arith.constant 0 : i32
        %get3A_418 = arith.index_cast %get3A_417 : i32 to index
        %get3A_419 = arith.index_cast %scan3A_409 : i32 to index
        %get3A_420 = arith.constant 16 : index
        %get3A_421 = tpu.vector_load %arg6[%get3A_418, %get3A_419, %get3A_420] {strides = array<i32>} : memref<4x208x64xf32, #tpu.memory_space<vmem>>, vector<1x1x16xf32>,
        %get3A_422 = vector.shape_cast %get3A_421 : vector<1x1x16xf32> to vector<16xf32>
        %add3A_423 = arith.addf %add3A_393, %get3A_422 : vector<16xf32>
        %get3A_424 = arith.constant 0 : i32
        %get3A_425 = arith.index_cast %get3A_424 : i32 to index
        %get3A_426 = arith.index_cast %scan3A_409 : i32 to index
        %get3A_427 = arith.constant 32 : index
        %get3A_428 = tpu.vector_load %arg6[%get3A_425, %get3A_426, %get3A_427] {strides = array<i32>} : memref<4x208x64xf32, #tpu.memory_space<vmem>>, vector<1x1x16xf32>,
        %get3A_429 = vector.shape_cast %get3A_428 : vector<1x1x16xf32> to vector<16xf32>
        %add3A_430 = arith.addf %add3A_400, %get3A_429 : vector<16xf32>
        %get3A_431 = arith.constant 0 : i32
        %get3A_432 = arith.index_cast %get3A_431 : i32 to index
        %get3A_433 = arith.index_cast %scan3A_409 : i32 to index
        %get3A_434 = arith.constant 48 : index
        %get3A_435 = tpu.vector_load %arg6[%get3A_432, %get3A_433, %get3A_434] {strides = array<i32>} : memref<4x208x64xf32, #tpu.memory_space<vmem>>, vector<1x1x16xf32>,
        %get3A_436 = vector.shape_cast %get3A_435 : vector<1x1x16xf32> to vector<16xf32>
        %add3A_437 = arith.addf %add3A_407, %get3A_436 : vector<16xf32>
        %scan3A_438 = arith.constant 4 : i32
        %scan3A_439 = arith.addi %scan3A_316, %scan3A_438 : i32
        %get3A_440 = arith.constant 0 : i32
        %get3A_441 = arith.index_cast %get3A_440 : i32 to index
        %get3A_442 = arith.index_cast %scan3A_439 : i32 to index
        %get3A_443 = arith.constant 0 : index
        %get3A_444 = tpu.vector_load %arg6[%get3A_441, %get3A_442, %get3A_443] {strides = array<i32>} : memref<4x208x64xf32, #tpu.memory_space<vmem>>, vector<1x1x16xf32>,
        %get3A_445 = vector.shape_cast %get3A_444 : vector<1x1x16xf32> to vector<16xf32>
        %add3A_446 = arith.addf %add3A_416, %get3A_445 : vector<16xf32>
        %get3A_447 = arith.constant 0 : i32
        %get3A_448 = arith.index_cast %get3A_447 : i32 to index
        %get3A_449 = arith.index_cast %scan3A_439 : i32 to index
        %get3A_450 = arith.constant 16 : index
        %get3A_451 = tpu.vector_load %arg6[%get3A_448, %get3A_449, %get3A_450] {strides = array<i32>} : memref<4x208x64xf32, #tpu.memory_space<vmem>>, vector<1x1x16xf32>,
        %get3A_452 = vector.shape_cast %get3A_451 : vector<1x1x16xf32> to vector<16xf32>
        %add3A_453 = arith.addf %add3A_423, %get3A_452 : vector<16xf32>
        %get3A_454 = arith.constant 0 : i32
        %get3A_455 = arith.index_cast %get3A_454 : i32 to index
        %get3A_456 = arith.index_cast %scan3A_439 : i32 to index
        %get3A_457 = arith.constant 32 : index
        %get3A_458 = tpu.vector_load %arg6[%get3A_455, %get3A_456, %get3A_457] {strides = array<i32>} : memref<4x208x64xf32, #tpu.memory_space<vmem>>, vector<1x1x16xf32>,
        %get3A_459 = vector.shape_cast %get3A_458 : vector<1x1x16xf32> to vector<16xf32>
        %add3A_460 = arith.addf %add3A_430, %get3A_459 : vector<16xf32>
        %get3A_461 = arith.constant 0 : i32
        %get3A_462 = arith.index_cast %get3A_461 : i32 to index
        %get3A_463 = arith.index_cast %scan3A_439 : i32 to index
        %get3A_464 = arith.constant 48 : index
        %get3A_465 = tpu.vector_load %arg6[%get3A_462, %get3A_463, %get3A_464] {strides = array<i32>} : memref<4x208x64xf32, #tpu.memory_space<vmem>>, vector<1x1x16xf32>,
        %get3A_466 = vector.shape_cast %get3A_465 : vector<1x1x16xf32> to vector<16xf32>
        %add3A_467 = arith.addf %add3A_437, %get3A_466 : vector<16xf32>
        %scan3A_468 = arith.constant 5 : i32
        %scan3A_469 = arith.addi %scan3A_316, %scan3A_468 : i32
        %get3A_470 = arith.constant 0 : i32
        %get3A_471 = arith.index_cast %get3A_470 : i32 to index
        %get3A_472 = arith.index_cast %scan3A_469 : i32 to index
        %get3A_473 = arith.constant 0 : index
        %get3A_474 = tpu.vector_load %arg6[%get3A_471, %get3A_472, %get3A_473] {strides = array<i32>} : memref<4x208x64xf32, #tpu.memory_space<vmem>>, vector<1x1x16xf32>,
        %get3A_475 = vector.shape_cast %get3A_474 : vector<1x1x16xf32> to vector<16xf32>
        %add3A_476 = arith.addf %add3A_446, %get3A_475 : vector<16xf32>
        %get3A_477 = arith.constant 0 : i32
        %get3A_478 = arith.index_cast %get3A_477 : i32 to index
        %get3A_479 = arith.index_cast %scan3A_469 : i32 to index
        %get3A_480 = arith.constant 16 : index
        %get3A_481 = tpu.vector_load %arg6[%get3A_478, %get3A_479, %get3A_480] {strides = array<i32>} : memref<4x208x64xf32, #tpu.memory_space<vmem>>, vector<1x1x16xf32>,
        %get3A_482 = vector.shape_cast %get3A_481 : vector<1x1x16xf32> to vector<16xf32>
        %add3A_483 = arith.addf %add3A_453, %get3A_482 : vector<16xf32>
        %get3A_484 = arith.constant 0 : i32
        %get3A_485 = arith.index_cast %get3A_484 : i32 to index
        %get3A_486 = arith.index_cast %scan3A_469 : i32 to index
        %get3A_487 = arith.constant 32 : index
        %get3A_488 = tpu.vector_load %arg6[%get3A_485, %get3A_486, %get3A_487] {strides = array<i32>} : memref<4x208x64xf32, #tpu.memory_space<vmem>>, vector<1x1x16xf32>,
        %get3A_489 = vector.shape_cast %get3A_488 : vector<1x1x16xf32> to vector<16xf32>
        %add3A_490 = arith.addf %add3A_460, %get3A_489 : vector<16xf32>
        %get3A_491 = arith.constant 0 : i32
        %get3A_492 = arith.index_cast %get3A_491 : i32 to index
        %get3A_493 = arith.index_cast %scan3A_469 : i32 to index
        %get3A_494 = arith.constant 48 : index
        %get3A_495 = tpu.vector_load %arg6[%get3A_492, %get3A_493, %get3A_494] {strides = array<i32>} : memref<4x208x64xf32, #tpu.memory_space<vmem>>, vector<1x1x16xf32>,
        %get3A_496 = vector.shape_cast %get3A_495 : vector<1x1x16xf32> to vector<16xf32>
        %add3A_497 = arith.addf %add3A_467, %get3A_496 : vector<16xf32>
        %scan3A_498 = arith.constant 6 : i32
        %scan3A_499 = arith.addi %scan3A_316, %scan3A_498 : i32
        %get3A_500 = arith.constant 0 : i32
        %get3A_501 = arith.index_cast %get3A_500 : i32 to index
        %get3A_502 = arith.index_cast %scan3A_499 : i32 to index
        %get3A_503 = arith.constant 0 : index
        %get3A_504 = tpu.vector_load %arg6[%get3A_501, %get3A_502, %get3A_503] {strides = array<i32>} : memref<4x208x64xf32, #tpu.memory_space<vmem>>, vector<1x1x16xf32>,
        %get3A_505 = vector.shape_cast %get3A_504 : vector<1x1x16xf32> to vector<16xf32>
        %add3A_506 = arith.addf %add3A_476, %get3A_505 : vector<16xf32>
        %get3A_507 = arith.constant 0 : i32
        %get3A_508 = arith.index_cast %get3A_507 : i32 to index
        %get3A_509 = arith.index_cast %scan3A_499 : i32 to index
        %get3A_510 = arith.constant 16 : index
        %get3A_511 = tpu.vector_load %arg6[%get3A_508, %get3A_509, %get3A_510] {strides = array<i32>} : memref<4x208x64xf32, #tpu.memory_space<vmem>>, vector<1x1x16xf32>,
        %get3A_512 = vector.shape_cast %get3A_511 : vector<1x1x16xf32> to vector<16xf32>
        %add3A_513 = arith.addf %add3A_483, %get3A_512 : vector<16xf32>
        %get3A_514 = arith.constant 0 : i32
        %get3A_515 = arith.index_cast %get3A_514 : i32 to index
        %get3A_516 = arith.index_cast %scan3A_499 : i32 to index
        %get3A_517 = arith.constant 32 : index
        %get3A_518 = tpu.vector_load %arg6[%get3A_515, %get3A_516, %get3A_517] {strides = array<i32>} : memref<4x208x64xf32, #tpu.memory_space<vmem>>, vector<1x1x16xf32>,
        %get3A_519 = vector.shape_cast %get3A_518 : vector<1x1x16xf32> to vector<16xf32>
        %add3A_520 = arith.addf %add3A_490, %get3A_519 : vector<16xf32>
        %get3A_521 = arith.constant 0 : i32
        %get3A_522 = arith.index_cast %get3A_521 : i32 to index
        %get3A_523 = arith.index_cast %scan3A_499 : i32 to index
        %get3A_524 = arith.constant 48 : index
        %get3A_525 = tpu.vector_load %arg6[%get3A_522, %get3A_523, %get3A_524] {strides = array<i32>} : memref<4x208x64xf32, #tpu.memory_space<vmem>>, vector<1x1x16xf32>,
        %get3A_526 = vector.shape_cast %get3A_525 : vector<1x1x16xf32> to vector<16xf32>
        %add3A_527 = arith.addf %add3A_497, %get3A_526 : vector<16xf32>
        %scan3A_528 = arith.constant 7 : i32
        %scan3A_529 = arith.addi %scan3A_316, %scan3A_528 : i32
        %get3A_530 = arith.constant 0 : i32
        %get3A_531 = arith.index_cast %get3A_530 : i32 to index
        %get3A_532 = arith.index_cast %scan3A_529 : i32 to index
        %get3A_533 = arith.constant 0 : index
        %get3A_534 = tpu.vector_load %arg6[%get3A_531, %get3A_532, %get3A_533] {strides = array<i32>} : memref<4x208x64xf32, #tpu.memory_space<vmem>>, vector<1x1x16xf32>,
        %get3A_535 = vector.shape_cast %get3A_534 : vector<1x1x16xf32> to vector<16xf32>
        %add3A_536 = arith.addf %add3A_506, %get3A_535 : vector<16xf32>
        %get3A_537 = arith.constant 0 : i32
        %get3A_538 = arith.index_cast %get3A_537 : i32 to index
        %get3A_539 = arith.index_cast %scan3A_529 : i32 to index
        %get3A_540 = arith.constant 16 : index
        %get3A_541 = tpu.vector_load %arg6[%get3A_538, %get3A_539, %get3A_540] {strides = array<i32>} : memref<4x208x64xf32, #tpu.memory_space<vmem>>, vector<1x1x16xf32>,
        %get3A_542 = vector.shape_cast %get3A_541 : vector<1x1x16xf32> to vector<16xf32>
        %add3A_543 = arith.addf %add3A_513, %get3A_542 : vector<16xf32>
        %get3A_544 = arith.constant 0 : i32
        %get3A_545 = arith.index_cast %get3A_544 : i32 to index
        %get3A_546 = arith.index_cast %scan3A_529 : i32 to index
        %get3A_547 = arith.constant 32 : index
        %get3A_548 = tpu.vector_load %arg6[%get3A_545, %get3A_546, %get3A_547] {strides = array<i32>} : memref<4x208x64xf32, #tpu.memory_space<vmem>>, vector<1x1x16xf32>,
        %get3A_549 = vector.shape_cast %get3A_548 : vector<1x1x16xf32> to vector<16xf32>
        %add3A_550 = arith.addf %add3A_520, %get3A_549 : vector<16xf32>
        %get3A_551 = arith.constant 0 : i32
        %get3A_552 = arith.index_cast %get3A_551 : i32 to index
        %get3A_553 = arith.index_cast %scan3A_529 : i32 to index
        %get3A_554 = arith.constant 48 : index
        %get3A_555 = tpu.vector_load %arg6[%get3A_552, %get3A_553, %get3A_554] {strides = array<i32>} : memref<4x208x64xf32, #tpu.memory_space<vmem>>, vector<1x1x16xf32>,
        %get3A_556 = vector.shape_cast %get3A_555 : vector<1x1x16xf32> to vector<16xf32>
        %add3A_557 = arith.addf %add3A_527, %get3A_556 : vector<16xf32>
        scf.yield %add3A_536, %add3A_543, %add3A_550, %add3A_557 : vector<16xf32>, vector<16xf32>, vector<16xf32>, vector<16xf32>
      }
      %scan3A_136 = arith.constant 208 : i32
      %swap3A = arith.index_cast %add3A_116 : i32 to index
      %swap3A_137 = arith.constant 0 : index
      %swap3A_138 = tpu.vector_load %arg7[%swap3A, %swap3A_137] {strides = array<i32>} : memref<128x64xf32, #tpu.memory_space<vmem>>, vector<1x16xf32>,
      %swap3A_139 = vector.shape_cast %swap3A_138 : vector<1x16xf32> to vector<16xf32>
      %swap3A_140 = vector.shape_cast %scan3A_135#0 : vector<16xf32> to vector<1x16xf32>
      tpu.vector_store %arg7[%swap3A, %swap3A_137], %swap3A_140 {strides = array<i32>} : memref<128x64xf32, #tpu.memory_space<vmem>>, vector<1x16xf32>,
      %swap3A_141 = arith.index_cast %add3A_116 : i32 to index
      %swap3A_142 = arith.constant 16 : index
      %swap3A_143 = tpu.vector_load %arg7[%swap3A_141, %swap3A_142] {strides = array<i32>} : memref<128x64xf32, #tpu.memory_space<vmem>>, vector<1x16xf32>,
      %swap3A_144 = vector.shape_cast %swap3A_143 : vector<1x16xf32> to vector<16xf32>
      %swap3A_145 = vector.shape_cast %scan3A_135#1 : vector<16xf32> to vector<1x16xf32>
      tpu.vector_store %arg7[%swap3A_141, %swap3A_142], %swap3A_145 {strides = array<i32>} : memref<128x64xf32, #tpu.memory_space<vmem>>, vector<1x16xf32>,
      %swap3A_146 = arith.index_cast %add3A_116 : i32 to index
      %swap3A_147 = arith.constant 32 : index
      %swap3A_148 = tpu.vector_load %arg7[%swap3A_146, %swap3A_147] {strides = array<i32>} : memref<128x64xf32, #tpu.memory_space<vmem>>, vector<1x16xf32>,
      %swap3A_149 = vector.shape_cast %swap3A_148 : vector<1x16xf32> to vector<16xf32>
      %swap3A_150 = vector.shape_cast %scan3A_135#2 : vector<16xf32> to vector<1x16xf32>
      tpu.vector_store %arg7[%swap3A_146, %swap3A_147], %swap3A_150 {strides = array<i32>} : memref<128x64xf32, #tpu.memory_space<vmem>>, vector<1x16xf32>,
      %swap3A_151 = arith.index_cast %add3A_116 : i32 to index
      %swap3A_152 = arith.constant 48 : index
      %swap3A_153 = tpu.vector_load %arg7[%swap3A_151, %swap3A_152] {strides = array<i32>} : memref<128x64xf32, #tpu.memory_space<vmem>>, vector<1x16xf32>,
      %swap3A_154 = vector.shape_cast %swap3A_153 : vector<1x16xf32> to vector<16xf32>
      %swap3A_155 = vector.shape_cast %scan3A_135#3 : vector<16xf32> to vector<1x16xf32>
      tpu.vector_store %arg7[%swap3A_151, %swap3A_152], %swap3A_155 {strides = array<i32>} : memref<128x64xf32, #tpu.memory_space<vmem>>, vector<1x16xf32>,
      %add3A_156 = arith.constant 4 : i32
      %add3A_157 = arith.addi %add3A_116, %add3A_156 : i32
      %lt3A = arith.constant 128 : i32
      %lt3A_158 = arith.cmpi slt, %add3A_157, %lt3A : i32
      %convert_element_type3A = arith.extui %lt3A_158 : i1 to i32
      %cond3A = arith.constant 0 : i32
      %cond3A_159 = arith.cmpi ne, %convert_element_type3A, %cond3A : i32
      scf.if %cond3A_159 {
        %dma_start3A_316 = arith.constant 0 : i32
        %dma_start3A_317 = arith.constant 0 : i32
        %dma_start3A_318 = arith.constant 0 : i32
        %dma_start3A_319 = arith.constant 0 : i32
        %dma_start3A_320 = tpu.memref_slice %arg6[%dma_start3A_317, %dma_start3A_318, %dma_start3A_319] : memref<4x208x64xf32, #tpu.memory_space<vmem>> -> memref<1x104x64xf32, #tpu.memory_space<vmem>>
        %dma_start3A_321 = tpu.memref_squeeze %dma_start3A_320 : memref<1x104x64xf32, #tpu.memory_space<vmem>> -> memref<104x64xf32, #tpu.memory_space<vmem>>
        %dma_start3A_322 = arith.constant 0 : i32
        %dma_start3A_323 = tpu.memref_slice %arg5[%add3A_157, %dma_start3A_316, %dma_start3A_322] : memref<128x2x104xi32, #tpu.memory_space<vmem>> -> memref<1x1x104xi32, #tpu.memory_space<vmem>>
        %dma_start3A_324 = tpu.memref_squeeze %dma_start3A_323 : memref<1x1x104xi32, #tpu.memory_space<vmem>> -> memref<104xi32, #tpu.memory_space<vmem>>
        %dma_start3A_325 = arith.constant 0 : i32
        %dma_start3A_326 = arith.constant 0 : i32
        %dma_start3A_327 = tpu.memref_slice %arg3[%dma_start3A_325, %dma_start3A_326] : memref<1000000x64xf32, #tpu.memory_space<hbm>> -> memref<1000000x64xf32, #tpu.memory_space<hbm>>
        tpu.enqueue_indirect_dma source(%dma_start3A_327 : memref<1000000x64xf32, #tpu.memory_space<hbm>>) target(%dma_start3A_321 : memref<104x64xf32, #tpu.memory_space<vmem>>) offsets(%dma_start3A_324 : memref<104xi32, #tpu.memory_space<vmem>>) semaphore(%arg8 : memref<!tpu.dma_semaphore, #tpu.memory_space<semaphore_mem>>)
        %dma_start3A_328 = arith.constant 1 : i32
        %dma_start3A_329 = arith.constant 0 : i32
        %dma_start3A_330 = arith.constant 104 : i32
        %dma_start3A_331 = arith.constant 0 : i32
        %dma_start3A_332 = tpu.memref_slice %arg6[%dma_start3A_329, %dma_start3A_330, %dma_start3A_331] : memref<4x208x64xf32, #tpu.memory_space<vmem>> -> memref<1x104x64xf32, #tpu.memory_space<vmem>>
        %dma_start3A_333 = tpu.memref_squeeze %dma_start3A_332 : memref<1x104x64xf32, #tpu.memory_space<vmem>> -> memref<104x64xf32, #tpu.memory_space<vmem>>
        %dma_start3A_334 = arith.constant 0 : i32
        %dma_start3A_335 = tpu.memref_slice %arg5[%add3A_157, %dma_start3A_328, %dma_start3A_334] : memref<128x2x104xi32, #tpu.memory_space<vmem>> -> memref<1x1x104xi32, #tpu.memory_space<vmem>>
        %dma_start3A_336 = tpu.memref_squeeze %dma_start3A_335 : memref<1x1x104xi32, #tpu.memory_space<vmem>> -> memref<104xi32, #tpu.memory_space<vmem>>
        %dma_start3A_337 = arith.constant 0 : i32
        %dma_start3A_338 = arith.constant 0 : i32
        %dma_start3A_339 = tpu.memref_slice %arg3[%dma_start3A_337, %dma_start3A_338] : memref<1000000x64xf32, #tpu.memory_space<hbm>> -> memref<1000000x64xf32, #tpu.memory_space<hbm>>
        tpu.enqueue_indirect_dma source(%dma_start3A_339 : memref<1000000x64xf32, #tpu.memory_space<hbm>>) target(%dma_start3A_333 : memref<104x64xf32, #tpu.memory_space<vmem>>) offsets(%dma_start3A_336 : memref<104xi32, #tpu.memory_space<vmem>>) semaphore(%arg8 : memref<!tpu.dma_semaphore, #tpu.memory_space<semaphore_mem>>)
      } else {
      }
      %mul3A_160 = arith.constant 4 : i32
      %mul3A_161 = arith.muli %scan3A_112, %mul3A_160 : i32
      %add3A_162 = arith.constant 1 : i32
      %add3A_163 = arith.addi %mul3A_161, %add3A_162 : i32
      %dma_wait3A_164 = arith.constant 1 : i32
      %dma_wait3A_165 = arith.constant 0 : i32
      %dma_wait3A_166 = arith.constant 0 : i32
      %dma_wait3A_167 = tpu.memref_slice %arg6[%dma_wait3A_164, %dma_wait3A_165, %dma_wait3A_166] : memref<4x208x64xf32, #tpu.memory_space<vmem>> -> memref<1x208x64xf32, #tpu.memory_space<vmem>>
      %dma_wait3A_168 = tpu.memref_squeeze %dma_wait3A_167 : memref<1x208x64xf32, #tpu.memory_space<vmem>> -> memref<208x64xf32, #tpu.memory_space<vmem>>
      %dma_wait3A_169 = arith.constant 0 : i32
      %dma_wait3A_170 = arith.constant 0 : i32
      %dma_wait3A_171 = tpu.memref_slice %arg3[%dma_wait3A_169, %dma_wait3A_170] : memref<1000000x64xf32, #tpu.memory_space<hbm>> -> memref<208x64xf32, #tpu.memory_space<hbm>>
      %dma_wait3A_172 = arith.constant 0 : i32
      %dma_wait3A_173 = arith.constant 0 : i32
      %dma_wait3A_174 = tpu.memref_slice %arg6[%dma_wait3A_164, %dma_wait3A_172, %dma_wait3A_173] : memref<4x208x64xf32, #tpu.memory_space<vmem>> -> memref<1x208x64xf32, #tpu.memory_space<vmem>>
      %dma_wait3A_175 = tpu.memref_squeeze %dma_wait3A_174 : memref<1x208x64xf32, #tpu.memory_space<vmem>> -> memref<208x64xf32, #tpu.memory_space<vmem>>
      %dma_wait3A_176 = arith.constant 0 : i32
      %dma_wait3A_177 = arith.constant 0 : i32
      %dma_wait3A_178 = tpu.memref_slice %arg3[%dma_wait3A_176, %dma_wait3A_177] : memref<1000000x64xf32, #tpu.memory_space<hbm>> -> memref<208x64xf32, #tpu.memory_space<hbm>>
      tpu.wait_dma2 semaphore(%arg9 : memref<!tpu.dma_semaphore, #tpu.memory_space<semaphore_mem>>) src(%dma_wait3A_178 : memref<208x64xf32, #tpu.memory_space<hbm>>) dst(%dma_wait3A_175 : memref<208x64xf32, #tpu.memory_space<vmem>>)
      %scan3A_179 = arith.constant 0 : i32
      %scan3A_180 = arith.constant 208 : i32
      %scan3A_181 = arith.addi %scan3A_179, %scan3A_180 : i32
      %scan3A_182 = arith.constant 8 : i32
      %scan3A_183:4 = scf.for %scan3A_316 = %scan3A_179 to %scan3A_181 step %scan3A_182 iter_args(%scan3A_317 = %broadcast_in_dim3A_106, %scan3A_318 = %broadcast_in_dim3A_106, %scan3A_319 = %broadcast_in_dim3A_106, %scan3A_320 = %broadcast_in_dim3A_106) -> (vector<16xf32>, vector<16xf32>, vector<16xf32>, vector<16xf32>)  : i32 {
        %get3A = arith.constant 1 : i32
        %get3A_321 = arith.index_cast %get3A : i32 to index
        %get3A_322 = arith.index_cast %scan3A_316 : i32 to index
        %get3A_323 = arith.constant 0 : index
        %get3A_324 = tpu.vector_load %arg6[%get3A_321, %get3A_322, %get3A_323] {strides = array<i32>} : memref<4x208x64xf32, #tpu.memory_space<vmem>>, vector<1x1x16xf32>,
        %get3A_325 = vector.shape_cast %get3A_324 : vector<1x1x16xf32> to vector<16xf32>
        %add3A_326 = arith.addf %scan3A_317, %get3A_325 : vector<16xf32>
        %get3A_327 = arith.constant 1 : i32
        %get3A_328 = arith.index_cast %get3A_327 : i32 to index
        %get3A_329 = arith.index_cast %scan3A_316 : i32 to index
        %get3A_330 = arith.constant 16 : index
        %get3A_331 = tpu.vector_load %arg6[%get3A_328, %get3A_329, %get3A_330] {strides = array<i32>} : memref<4x208x64xf32, #tpu.memory_space<vmem>>, vector<1x1x16xf32>,
        %get3A_332 = vector.shape_cast %get3A_331 : vector<1x1x16xf32> to vector<16xf32>
        %add3A_333 = arith.addf %scan3A_318, %get3A_332 : vector<16xf32>
        %get3A_334 = arith.constant 1 : i32
        %get3A_335 = arith.index_cast %get3A_334 : i32 to index
        %get3A_336 = arith.index_cast %scan3A_316 : i32 to index
        %get3A_337 = arith.constant 32 : index
        %get3A_338 = tpu.vector_load %arg6[%get3A_335, %get3A_336, %get3A_337] {strides = array<i32>} : memref<4x208x64xf32, #tpu.memory_space<vmem>>, vector<1x1x16xf32>,
        %get3A_339 = vector.shape_cast %get3A_338 : vector<1x1x16xf32> to vector<16xf32>
        %add3A_340 = arith.addf %scan3A_319, %get3A_339 : vector<16xf32>
        %get3A_341 = arith.constant 1 : i32
        %get3A_342 = arith.index_cast %get3A_341 : i32 to index
        %get3A_343 = arith.index_cast %scan3A_316 : i32 to index
        %get3A_344 = arith.constant 48 : index
        %get3A_345 = tpu.vector_load %arg6[%get3A_342, %get3A_343, %get3A_344] {strides = array<i32>} : memref<4x208x64xf32, #tpu.memory_space<vmem>>, vector<1x1x16xf32>,
        %get3A_346 = vector.shape_cast %get3A_345 : vector<1x1x16xf32> to vector<16xf32>
        %add3A_347 = arith.addf %scan3A_320, %get3A_346 : vector<16xf32>
        %scan3A_348 = arith.constant 1 : i32
        %scan3A_349 = arith.addi %scan3A_316, %scan3A_348 : i32
        %get3A_350 = arith.constant 1 : i32
        %get3A_351 = arith.index_cast %get3A_350 : i32 to index
        %get3A_352 = arith.index_cast %scan3A_349 : i32 to index
        %get3A_353 = arith.constant 0 : index
        %get3A_354 = tpu.vector_load %arg6[%get3A_351, %get3A_352, %get3A_353] {strides = array<i32>} : memref<4x208x64xf32, #tpu.memory_space<vmem>>, vector<1x1x16xf32>,
        %get3A_355 = vector.shape_cast %get3A_354 : vector<1x1x16xf32> to vector<16xf32>
        %add3A_356 = arith.addf %add3A_326, %get3A_355 : vector<16xf32>
        %get3A_357 = arith.constant 1 : i32
        %get3A_358 = arith.index_cast %get3A_357 : i32 to index
        %get3A_359 = arith.index_cast %scan3A_349 : i32 to index
        %get3A_360 = arith.constant 16 : index
        %get3A_361 = tpu.vector_load %arg6[%get3A_358, %get3A_359, %get3A_360] {strides = array<i32>} : memref<4x208x64xf32, #tpu.memory_space<vmem>>, vector<1x1x16xf32>,
        %get3A_362 = vector.shape_cast %get3A_361 : vector<1x1x16xf32> to vector<16xf32>
        %add3A_363 = arith.addf %add3A_333, %get3A_362 : vector<16xf32>
        %get3A_364 = arith.constant 1 : i32
        %get3A_365 = arith.index_cast %get3A_364 : i32 to index
        %get3A_366 = arith.index_cast %scan3A_349 : i32 to index
        %get3A_367 = arith.constant 32 : index
        %get3A_368 = tpu.vector_load %arg6[%get3A_365, %get3A_366, %get3A_367] {strides = array<i32>} : memref<4x208x64xf32, #tpu.memory_space<vmem>>, vector<1x1x16xf32>,
        %get3A_369 = vector.shape_cast %get3A_368 : vector<1x1x16xf32> to vector<16xf32>
        %add3A_370 = arith.addf %add3A_340, %get3A_369 : vector<16xf32>
        %get3A_371 = arith.constant 1 : i32
        %get3A_372 = arith.index_cast %get3A_371 : i32 to index
        %get3A_373 = arith.index_cast %scan3A_349 : i32 to index
        %get3A_374 = arith.constant 48 : index
        %get3A_375 = tpu.vector_load %arg6[%get3A_372, %get3A_373, %get3A_374] {strides = array<i32>} : memref<4x208x64xf32, #tpu.memory_space<vmem>>, vector<1x1x16xf32>,
        %get3A_376 = vector.shape_cast %get3A_375 : vector<1x1x16xf32> to vector<16xf32>
        %add3A_377 = arith.addf %add3A_347, %get3A_376 : vector<16xf32>
        %scan3A_378 = arith.constant 2 : i32
        %scan3A_379 = arith.addi %scan3A_316, %scan3A_378 : i32
        %get3A_380 = arith.constant 1 : i32
        %get3A_381 = arith.index_cast %get3A_380 : i32 to index
        %get3A_382 = arith.index_cast %scan3A_379 : i32 to index
        %get3A_383 = arith.constant 0 : index
        %get3A_384 = tpu.vector_load %arg6[%get3A_381, %get3A_382, %get3A_383] {strides = array<i32>} : memref<4x208x64xf32, #tpu.memory_space<vmem>>, vector<1x1x16xf32>,
        %get3A_385 = vector.shape_cast %get3A_384 : vector<1x1x16xf32> to vector<16xf32>
        %add3A_386 = arith.addf %add3A_356, %get3A_385 : vector<16xf32>
        %get3A_387 = arith.constant 1 : i32
        %get3A_388 = arith.index_cast %get3A_387 : i32 to index
        %get3A_389 = arith.index_cast %scan3A_379 : i32 to index
        %get3A_390 = arith.constant 16 : index
        %get3A_391 = tpu.vector_load %arg6[%get3A_388, %get3A_389, %get3A_390] {strides = array<i32>} : memref<4x208x64xf32, #tpu.memory_space<vmem>>, vector<1x1x16xf32>,
        %get3A_392 = vector.shape_cast %get3A_391 : vector<1x1x16xf32> to vector<16xf32>
        %add3A_393 = arith.addf %add3A_363, %get3A_392 : vector<16xf32>
        %get3A_394 = arith.constant 1 : i32
        %get3A_395 = arith.index_cast %get3A_394 : i32 to index
        %get3A_396 = arith.index_cast %scan3A_379 : i32 to index
        %get3A_397 = arith.constant 32 : index
        %get3A_398 = tpu.vector_load %arg6[%get3A_395, %get3A_396, %get3A_397] {strides = array<i32>} : memref<4x208x64xf32, #tpu.memory_space<vmem>>, vector<1x1x16xf32>,
        %get3A_399 = vector.shape_cast %get3A_398 : vector<1x1x16xf32> to vector<16xf32>
        %add3A_400 = arith.addf %add3A_370, %get3A_399 : vector<16xf32>
        %get3A_401 = arith.constant 1 : i32
        %get3A_402 = arith.index_cast %get3A_401 : i32 to index
        %get3A_403 = arith.index_cast %scan3A_379 : i32 to index
        %get3A_404 = arith.constant 48 : index
        %get3A_405 = tpu.vector_load %arg6[%get3A_402, %get3A_403, %get3A_404] {strides = array<i32>} : memref<4x208x64xf32, #tpu.memory_space<vmem>>, vector<1x1x16xf32>,
        %get3A_406 = vector.shape_cast %get3A_405 : vector<1x1x16xf32> to vector<16xf32>
        %add3A_407 = arith.addf %add3A_377, %get3A_406 : vector<16xf32>
        %scan3A_408 = arith.constant 3 : i32
        %scan3A_409 = arith.addi %scan3A_316, %scan3A_408 : i32
        %get3A_410 = arith.constant 1 : i32
        %get3A_411 = arith.index_cast %get3A_410 : i32 to index
        %get3A_412 = arith.index_cast %scan3A_409 : i32 to index
        %get3A_413 = arith.constant 0 : index
        %get3A_414 = tpu.vector_load %arg6[%get3A_411, %get3A_412, %get3A_413] {strides = array<i32>} : memref<4x208x64xf32, #tpu.memory_space<vmem>>, vector<1x1x16xf32>,
        %get3A_415 = vector.shape_cast %get3A_414 : vector<1x1x16xf32> to vector<16xf32>
        %add3A_416 = arith.addf %add3A_386, %get3A_415 : vector<16xf32>
        %get3A_417 = arith.constant 1 : i32
        %get3A_418 = arith.index_cast %get3A_417 : i32 to index
        %get3A_419 = arith.index_cast %scan3A_409 : i32 to index
        %get3A_420 = arith.constant 16 : index
        %get3A_421 = tpu.vector_load %arg6[%get3A_418, %get3A_419, %get3A_420] {strides = array<i32>} : memref<4x208x64xf32, #tpu.memory_space<vmem>>, vector<1x1x16xf32>,
        %get3A_422 = vector.shape_cast %get3A_421 : vector<1x1x16xf32> to vector<16xf32>
        %add3A_423 = arith.addf %add3A_393, %get3A_422 : vector<16xf32>
        %get3A_424 = arith.constant 1 : i32
        %get3A_425 = arith.index_cast %get3A_424 : i32 to index
        %get3A_426 = arith.index_cast %scan3A_409 : i32 to index
        %get3A_427 = arith.constant 32 : index
        %get3A_428 = tpu.vector_load %arg6[%get3A_425, %get3A_426, %get3A_427] {strides = array<i32>} : memref<4x208x64xf32, #tpu.memory_space<vmem>>, vector<1x1x16xf32>,
        %get3A_429 = vector.shape_cast %get3A_428 : vector<1x1x16xf32> to vector<16xf32>
        %add3A_430 = arith.addf %add3A_400, %get3A_429 : vector<16xf32>
        %get3A_431 = arith.constant 1 : i32
        %get3A_432 = arith.index_cast %get3A_431 : i32 to index
        %get3A_433 = arith.index_cast %scan3A_409 : i32 to index
        %get3A_434 = arith.constant 48 : index
        %get3A_435 = tpu.vector_load %arg6[%get3A_432, %get3A_433, %get3A_434] {strides = array<i32>} : memref<4x208x64xf32, #tpu.memory_space<vmem>>, vector<1x1x16xf32>,
        %get3A_436 = vector.shape_cast %get3A_435 : vector<1x1x16xf32> to vector<16xf32>
        %add3A_437 = arith.addf %add3A_407, %get3A_436 : vector<16xf32>
        %scan3A_438 = arith.constant 4 : i32
        %scan3A_439 = arith.addi %scan3A_316, %scan3A_438 : i32
        %get3A_440 = arith.constant 1 : i32
        %get3A_441 = arith.index_cast %get3A_440 : i32 to index
        %get3A_442 = arith.index_cast %scan3A_439 : i32 to index
        %get3A_443 = arith.constant 0 : index
        %get3A_444 = tpu.vector_load %arg6[%get3A_441, %get3A_442, %get3A_443] {strides = array<i32>} : memref<4x208x64xf32, #tpu.memory_space<vmem>>, vector<1x1x16xf32>,
        %get3A_445 = vector.shape_cast %get3A_444 : vector<1x1x16xf32> to vector<16xf32>
        %add3A_446 = arith.addf %add3A_416, %get3A_445 : vector<16xf32>
        %get3A_447 = arith.constant 1 : i32
        %get3A_448 = arith.index_cast %get3A_447 : i32 to index
        %get3A_449 = arith.index_cast %scan3A_439 : i32 to index
        %get3A_450 = arith.constant 16 : index
        %get3A_451 = tpu.vector_load %arg6[%get3A_448, %get3A_449, %get3A_450] {strides = array<i32>} : memref<4x208x64xf32, #tpu.memory_space<vmem>>, vector<1x1x16xf32>,
        %get3A_452 = vector.shape_cast %get3A_451 : vector<1x1x16xf32> to vector<16xf32>
        %add3A_453 = arith.addf %add3A_423, %get3A_452 : vector<16xf32>
        %get3A_454 = arith.constant 1 : i32
        %get3A_455 = arith.index_cast %get3A_454 : i32 to index
        %get3A_456 = arith.index_cast %scan3A_439 : i32 to index
        %get3A_457 = arith.constant 32 : index
        %get3A_458 = tpu.vector_load %arg6[%get3A_455, %get3A_456, %get3A_457] {strides = array<i32>} : memref<4x208x64xf32, #tpu.memory_space<vmem>>, vector<1x1x16xf32>,
        %get3A_459 = vector.shape_cast %get3A_458 : vector<1x1x16xf32> to vector<16xf32>
        %add3A_460 = arith.addf %add3A_430, %get3A_459 : vector<16xf32>
        %get3A_461 = arith.constant 1 : i32
        %get3A_462 = arith.index_cast %get3A_461 : i32 to index
        %get3A_463 = arith.index_cast %scan3A_439 : i32 to index
        %get3A_464 = arith.constant 48 : index
        %get3A_465 = tpu.vector_load %arg6[%get3A_462, %get3A_463, %get3A_464] {strides = array<i32>} : memref<4x208x64xf32, #tpu.memory_space<vmem>>, vector<1x1x16xf32>,
        %get3A_466 = vector.shape_cast %get3A_465 : vector<1x1x16xf32> to vector<16xf32>
        %add3A_467 = arith.addf %add3A_437, %get3A_466 : vector<16xf32>
        %scan3A_468 = arith.constant 5 : i32
        %scan3A_469 = arith.addi %scan3A_316, %scan3A_468 : i32
        %get3A_470 = arith.constant 1 : i32
        %get3A_471 = arith.index_cast %get3A_470 : i32 to index
        %get3A_472 = arith.index_cast %scan3A_469 : i32 to index
        %get3A_473 = arith.constant 0 : index
        %get3A_474 = tpu.vector_load %arg6[%get3A_471, %get3A_472, %get3A_473] {strides = array<i32>} : memref<4x208x64xf32, #tpu.memory_space<vmem>>, vector<1x1x16xf32>,
        %get3A_475 = vector.shape_cast %get3A_474 : vector<1x1x16xf32> to vector<16xf32>
        %add3A_476 = arith.addf %add3A_446, %get3A_475 : vector<16xf32>
        %get3A_477 = arith.constant 1 : i32
        %get3A_478 = arith.index_cast %get3A_477 : i32 to index
        %get3A_479 = arith.index_cast %scan3A_469 : i32 to index
        %get3A_480 = arith.constant 16 : index
        %get3A_481 = tpu.vector_load %arg6[%get3A_478, %get3A_479, %get3A_480] {strides = array<i32>} : memref<4x208x64xf32, #tpu.memory_space<vmem>>, vector<1x1x16xf32>,
        %get3A_482 = vector.shape_cast %get3A_481 : vector<1x1x16xf32> to vector<16xf32>
        %add3A_483 = arith.addf %add3A_453, %get3A_482 : vector<16xf32>
        %get3A_484 = arith.constant 1 : i32
        %get3A_485 = arith.index_cast %get3A_484 : i32 to index
        %get3A_486 = arith.index_cast %scan3A_469 : i32 to index
        %get3A_487 = arith.constant 32 : index
        %get3A_488 = tpu.vector_load %arg6[%get3A_485, %get3A_486, %get3A_487] {strides = array<i32>} : memref<4x208x64xf32, #tpu.memory_space<vmem>>, vector<1x1x16xf32>,
        %get3A_489 = vector.shape_cast %get3A_488 : vector<1x1x16xf32> to vector<16xf32>
        %add3A_490 = arith.addf %add3A_460, %get3A_489 : vector<16xf32>
        %get3A_491 = arith.constant 1 : i32
        %get3A_492 = arith.index_cast %get3A_491 : i32 to index
        %get3A_493 = arith.index_cast %scan3A_469 : i32 to index
        %get3A_494 = arith.constant 48 : index
        %get3A_495 = tpu.vector_load %arg6[%get3A_492, %get3A_493, %get3A_494] {strides = array<i32>} : memref<4x208x64xf32, #tpu.memory_space<vmem>>, vector<1x1x16xf32>,
        %get3A_496 = vector.shape_cast %get3A_495 : vector<1x1x16xf32> to vector<16xf32>
        %add3A_497 = arith.addf %add3A_467, %get3A_496 : vector<16xf32>
        %scan3A_498 = arith.constant 6 : i32
        %scan3A_499 = arith.addi %scan3A_316, %scan3A_498 : i32
        %get3A_500 = arith.constant 1 : i32
        %get3A_501 = arith.index_cast %get3A_500 : i32 to index
        %get3A_502 = arith.index_cast %scan3A_499 : i32 to index
        %get3A_503 = arith.constant 0 : index
        %get3A_504 = tpu.vector_load %arg6[%get3A_501, %get3A_502, %get3A_503] {strides = array<i32>} : memref<4x208x64xf32, #tpu.memory_space<vmem>>, vector<1x1x16xf32>,
        %get3A_505 = vector.shape_cast %get3A_504 : vector<1x1x16xf32> to vector<16xf32>
        %add3A_506 = arith.addf %add3A_476, %get3A_505 : vector<16xf32>
        %get3A_507 = arith.constant 1 : i32
        %get3A_508 = arith.index_cast %get3A_507 : i32 to index
        %get3A_509 = arith.index_cast %scan3A_499 : i32 to index
        %get3A_510 = arith.constant 16 : index
        %get3A_511 = tpu.vector_load %arg6[%get3A_508, %get3A_509, %get3A_510] {strides = array<i32>} : memref<4x208x64xf32, #tpu.memory_space<vmem>>, vector<1x1x16xf32>,
        %get3A_512 = vector.shape_cast %get3A_511 : vector<1x1x16xf32> to vector<16xf32>
        %add3A_513 = arith.addf %add3A_483, %get3A_512 : vector<16xf32>
        %get3A_514 = arith.constant 1 : i32
        %get3A_515 = arith.index_cast %get3A_514 : i32 to index
        %get3A_516 = arith.index_cast %scan3A_499 : i32 to index
        %get3A_517 = arith.constant 32 : index
        %get3A_518 = tpu.vector_load %arg6[%get3A_515, %get3A_516, %get3A_517] {strides = array<i32>} : memref<4x208x64xf32, #tpu.memory_space<vmem>>, vector<1x1x16xf32>,
        %get3A_519 = vector.shape_cast %get3A_518 : vector<1x1x16xf32> to vector<16xf32>
        %add3A_520 = arith.addf %add3A_490, %get3A_519 : vector<16xf32>
        %get3A_521 = arith.constant 1 : i32
        %get3A_522 = arith.index_cast %get3A_521 : i32 to index
        %get3A_523 = arith.index_cast %scan3A_499 : i32 to index
        %get3A_524 = arith.constant 48 : index
        %get3A_525 = tpu.vector_load %arg6[%get3A_522, %get3A_523, %get3A_524] {strides = array<i32>} : memref<4x208x64xf32, #tpu.memory_space<vmem>>, vector<1x1x16xf32>,
        %get3A_526 = vector.shape_cast %get3A_525 : vector<1x1x16xf32> to vector<16xf32>
        %add3A_527 = arith.addf %add3A_497, %get3A_526 : vector<16xf32>
        %scan3A_528 = arith.constant 7 : i32
        %scan3A_529 = arith.addi %scan3A_316, %scan3A_528 : i32
        %get3A_530 = arith.constant 1 : i32
        %get3A_531 = arith.index_cast %get3A_530 : i32 to index
        %get3A_532 = arith.index_cast %scan3A_529 : i32 to index
        %get3A_533 = arith.constant 0 : index
        %get3A_534 = tpu.vector_load %arg6[%get3A_531, %get3A_532, %get3A_533] {strides = array<i32>} : memref<4x208x64xf32, #tpu.memory_space<vmem>>, vector<1x1x16xf32>,
        %get3A_535 = vector.shape_cast %get3A_534 : vector<1x1x16xf32> to vector<16xf32>
        %add3A_536 = arith.addf %add3A_506, %get3A_535 : vector<16xf32>
        %get3A_537 = arith.constant 1 : i32
        %get3A_538 = arith.index_cast %get3A_537 : i32 to index
        %get3A_539 = arith.index_cast %scan3A_529 : i32 to index
        %get3A_540 = arith.constant 16 : index
        %get3A_541 = tpu.vector_load %arg6[%get3A_538, %get3A_539, %get3A_540] {strides = array<i32>} : memref<4x208x64xf32, #tpu.memory_space<vmem>>, vector<1x1x16xf32>,
        %get3A_542 = vector.shape_cast %get3A_541 : vector<1x1x16xf32> to vector<16xf32>
        %add3A_543 = arith.addf %add3A_513, %get3A_542 : vector<16xf32>
        %get3A_544 = arith.constant 1 : i32
        %get3A_545 = arith.index_cast %get3A_544 : i32 to index
        %get3A_546 = arith.index_cast %scan3A_529 : i32 to index
        %get3A_547 = arith.constant 32 : index
        %get3A_548 = tpu.vector_load %arg6[%get3A_545, %get3A_546, %get3A_547] {strides = array<i32>} : memref<4x208x64xf32, #tpu.memory_space<vmem>>, vector<1x1x16xf32>,
        %get3A_549 = vector.shape_cast %get3A_548 : vector<1x1x16xf32> to vector<16xf32>
        %add3A_550 = arith.addf %add3A_520, %get3A_549 : vector<16xf32>
        %get3A_551 = arith.constant 1 : i32
        %get3A_552 = arith.index_cast %get3A_551 : i32 to index
        %get3A_553 = arith.index_cast %scan3A_529 : i32 to index
        %get3A_554 = arith.constant 48 : index
        %get3A_555 = tpu.vector_load %arg6[%get3A_552, %get3A_553, %get3A_554] {strides = array<i32>} : memref<4x208x64xf32, #tpu.memory_space<vmem>>, vector<1x1x16xf32>,
        %get3A_556 = vector.shape_cast %get3A_555 : vector<1x1x16xf32> to vector<16xf32>
        %add3A_557 = arith.addf %add3A_527, %get3A_556 : vector<16xf32>
        scf.yield %add3A_536, %add3A_543, %add3A_550, %add3A_557 : vector<16xf32>, vector<16xf32>, vector<16xf32>, vector<16xf32>
      }
      %scan3A_184 = arith.constant 208 : i32
      %swap3A_185 = arith.index_cast %add3A_163 : i32 to index
      %swap3A_186 = arith.constant 0 : index
      %swap3A_187 = tpu.vector_load %arg7[%swap3A_185, %swap3A_186] {strides = array<i32>} : memref<128x64xf32, #tpu.memory_space<vmem>>, vector<1x16xf32>,
      %swap3A_188 = vector.shape_cast %swap3A_187 : vector<1x16xf32> to vector<16xf32>
      %swap3A_189 = vector.shape_cast %scan3A_183#0 : vector<16xf32> to vector<1x16xf32>
      tpu.vector_store %arg7[%swap3A_185, %swap3A_186], %swap3A_189 {strides = array<i32>} : memref<128x64xf32, #tpu.memory_space<vmem>>, vector<1x16xf32>,
      %swap3A_190 = arith.index_cast %add3A_163 : i32 to index
      %swap3A_191 = arith.constant 16 : index
      %swap3A_192 = tpu.vector_load %arg7[%swap3A_190, %swap3A_191] {strides = array<i32>} : memref<128x64xf32, #tpu.memory_space<vmem>>, vector<1x16xf32>,
      %swap3A_193 = vector.shape_cast %swap3A_192 : vector<1x16xf32> to vector<16xf32>
      %swap3A_194 = vector.shape_cast %scan3A_183#1 : vector<16xf32> to vector<1x16xf32>
      tpu.vector_store %arg7[%swap3A_190, %swap3A_191], %swap3A_194 {strides = array<i32>} : memref<128x64xf32, #tpu.memory_space<vmem>>, vector<1x16xf32>,
      %swap3A_195 = arith.index_cast %add3A_163 : i32 to index
      %swap3A_196 = arith.constant 32 : index
      %swap3A_197 = tpu.vector_load %arg7[%swap3A_195, %swap3A_196] {strides = array<i32>} : memref<128x64xf32, #tpu.memory_space<vmem>>, vector<1x16xf32>,
      %swap3A_198 = vector.shape_cast %swap3A_197 : vector<1x16xf32> to vector<16xf32>
      %swap3A_199 = vector.shape_cast %scan3A_183#2 : vector<16xf32> to vector<1x16xf32>
      tpu.vector_store %arg7[%swap3A_195, %swap3A_196], %swap3A_199 {strides = array<i32>} : memref<128x64xf32, #tpu.memory_space<vmem>>, vector<1x16xf32>,
      %swap3A_200 = arith.index_cast %add3A_163 : i32 to index
      %swap3A_201 = arith.constant 48 : index
      %swap3A_202 = tpu.vector_load %arg7[%swap3A_200, %swap3A_201] {strides = array<i32>} : memref<128x64xf32, #tpu.memory_space<vmem>>, vector<1x16xf32>,
      %swap3A_203 = vector.shape_cast %swap3A_202 : vector<1x16xf32> to vector<16xf32>
      %swap3A_204 = vector.shape_cast %scan3A_183#3 : vector<16xf32> to vector<1x16xf32>
      tpu.vector_store %arg7[%swap3A_200, %swap3A_201], %swap3A_204 {strides = array<i32>} : memref<128x64xf32, #tpu.memory_space<vmem>>, vector<1x16xf32>,
      %add3A_205 = arith.constant 4 : i32
      %add3A_206 = arith.addi %add3A_163, %add3A_205 : i32
      %lt3A_207 = arith.constant 128 : i32
      %lt3A_208 = arith.cmpi slt, %add3A_206, %lt3A_207 : i32
      %convert_element_type3A_209 = arith.extui %lt3A_208 : i1 to i32
      %cond3A_210 = arith.constant 0 : i32
      %cond3A_211 = arith.cmpi ne, %convert_element_type3A_209, %cond3A_210 : i32
      scf.if %cond3A_211 {
        %dma_start3A_316 = arith.constant 0 : i32
        %dma_start3A_317 = arith.constant 1 : i32
        %dma_start3A_318 = arith.constant 0 : i32
        %dma_start3A_319 = arith.constant 0 : i32
        %dma_start3A_320 = tpu.memref_slice %arg6[%dma_start3A_317, %dma_start3A_318, %dma_start3A_319] : memref<4x208x64xf32, #tpu.memory_space<vmem>> -> memref<1x104x64xf32, #tpu.memory_space<vmem>>
        %dma_start3A_321 = tpu.memref_squeeze %dma_start3A_320 : memref<1x104x64xf32, #tpu.memory_space<vmem>> -> memref<104x64xf32, #tpu.memory_space<vmem>>
        %dma_start3A_322 = arith.constant 0 : i32
        %dma_start3A_323 = tpu.memref_slice %arg5[%add3A_206, %dma_start3A_316, %dma_start3A_322] : memref<128x2x104xi32, #tpu.memory_space<vmem>> -> memref<1x1x104xi32, #tpu.memory_space<vmem>>
        %dma_start3A_324 = tpu.memref_squeeze %dma_start3A_323 : memref<1x1x104xi32, #tpu.memory_space<vmem>> -> memref<104xi32, #tpu.memory_space<vmem>>
        %dma_start3A_325 = arith.constant 0 : i32
        %dma_start3A_326 = arith.constant 0 : i32
        %dma_start3A_327 = tpu.memref_slice %arg3[%dma_start3A_325, %dma_start3A_326] : memref<1000000x64xf32, #tpu.memory_space<hbm>> -> memref<1000000x64xf32, #tpu.memory_space<hbm>>
        tpu.enqueue_indirect_dma source(%dma_start3A_327 : memref<1000000x64xf32, #tpu.memory_space<hbm>>) target(%dma_start3A_321 : memref<104x64xf32, #tpu.memory_space<vmem>>) offsets(%dma_start3A_324 : memref<104xi32, #tpu.memory_space<vmem>>) semaphore(%arg9 : memref<!tpu.dma_semaphore, #tpu.memory_space<semaphore_mem>>)
        %dma_start3A_328 = arith.constant 1 : i32
        %dma_start3A_329 = arith.constant 1 : i32
        %dma_start3A_330 = arith.constant 104 : i32
        %dma_start3A_331 = arith.constant 0 : i32
        %dma_start3A_332 = tpu.memref_slice %arg6[%dma_start3A_329, %dma_start3A_330, %dma_start3A_331] : memref<4x208x64xf32, #tpu.memory_space<vmem>> -> memref<1x104x64xf32, #tpu.memory_space<vmem>>
        %dma_start3A_333 = tpu.memref_squeeze %dma_start3A_332 : memref<1x104x64xf32, #tpu.memory_space<vmem>> -> memref<104x64xf32, #tpu.memory_space<vmem>>
        %dma_start3A_334 = arith.constant 0 : i32
        %dma_start3A_335 = tpu.memref_slice %arg5[%add3A_206, %dma_start3A_328, %dma_start3A_334] : memref<128x2x104xi32, #tpu.memory_space<vmem>> -> memref<1x1x104xi32, #tpu.memory_space<vmem>>
        %dma_start3A_336 = tpu.memref_squeeze %dma_start3A_335 : memref<1x1x104xi32, #tpu.memory_space<vmem>> -> memref<104xi32, #tpu.memory_space<vmem>>
        %dma_start3A_337 = arith.constant 0 : i32
        %dma_start3A_338 = arith.constant 0 : i32
        %dma_start3A_339 = tpu.memref_slice %arg3[%dma_start3A_337, %dma_start3A_338] : memref<1000000x64xf32, #tpu.memory_space<hbm>> -> memref<1000000x64xf32, #tpu.memory_space<hbm>>
        tpu.enqueue_indirect_dma source(%dma_start3A_339 : memref<1000000x64xf32, #tpu.memory_space<hbm>>) target(%dma_start3A_333 : memref<104x64xf32, #tpu.memory_space<vmem>>) offsets(%dma_start3A_336 : memref<104xi32, #tpu.memory_space<vmem>>) semaphore(%arg9 : memref<!tpu.dma_semaphore, #tpu.memory_space<semaphore_mem>>)
      } else {
      }
      %mul3A_212 = arith.constant 4 : i32
      %mul3A_213 = arith.muli %scan3A_112, %mul3A_212 : i32
      %add3A_214 = arith.constant 2 : i32
      %add3A_215 = arith.addi %mul3A_213, %add3A_214 : i32
      %dma_wait3A_216 = arith.constant 2 : i32
      %dma_wait3A_217 = arith.constant 0 : i32
      %dma_wait3A_218 = arith.constant 0 : i32
      %dma_wait3A_219 = tpu.memref_slice %arg6[%dma_wait3A_216, %dma_wait3A_217, %dma_wait3A_218] : memref<4x208x64xf32, #tpu.memory_space<vmem>> -> memref<1x208x64xf32, #tpu.memory_space<vmem>>
      %dma_wait3A_220 = tpu.memref_squeeze %dma_wait3A_219 : memref<1x208x64xf32, #tpu.memory_space<vmem>> -> memref<208x64xf32, #tpu.memory_space<vmem>>
      %dma_wait3A_221 = arith.constant 0 : i32
      %dma_wait3A_222 = arith.constant 0 : i32
      %dma_wait3A_223 = tpu.memref_slice %arg3[%dma_wait3A_221, %dma_wait3A_222] : memref<1000000x64xf32, #tpu.memory_space<hbm>> -> memref<208x64xf32, #tpu.memory_space<hbm>>
      %dma_wait3A_224 = arith.constant 0 : i32
      %dma_wait3A_225 = arith.constant 0 : i32
      %dma_wait3A_226 = tpu.memref_slice %arg6[%dma_wait3A_216, %dma_wait3A_224, %dma_wait3A_225] : memref<4x208x64xf32, #tpu.memory_space<vmem>> -> memref<1x208x64xf32, #tpu.memory_space<vmem>>
      %dma_wait3A_227 = tpu.memref_squeeze %dma_wait3A_226 : memref<1x208x64xf32, #tpu.memory_space<vmem>> -> memref<208x64xf32, #tpu.memory_space<vmem>>
      %dma_wait3A_228 = arith.constant 0 : i32
      %dma_wait3A_229 = arith.constant 0 : i32
      %dma_wait3A_230 = tpu.memref_slice %arg3[%dma_wait3A_228, %dma_wait3A_229] : memref<1000000x64xf32, #tpu.memory_space<hbm>> -> memref<208x64xf32, #tpu.memory_space<hbm>>
      tpu.wait_dma2 semaphore(%arg10 : memref<!tpu.dma_semaphore, #tpu.memory_space<semaphore_mem>>) src(%dma_wait3A_230 : memref<208x64xf32, #tpu.memory_space<hbm>>) dst(%dma_wait3A_227 : memref<208x64xf32, #tpu.memory_space<vmem>>)
      %scan3A_231 = arith.constant 0 : i32
      %scan3A_232 = arith.constant 208 : i32
      %scan3A_233 = arith.addi %scan3A_231, %scan3A_232 : i32
      %scan3A_234 = arith.constant 8 : i32
      %scan3A_235:4 = scf.for %scan3A_316 = %scan3A_231 to %scan3A_233 step %scan3A_234 iter_args(%scan3A_317 = %broadcast_in_dim3A_106, %scan3A_318 = %broadcast_in_dim3A_106, %scan3A_319 = %broadcast_in_dim3A_106, %scan3A_320 = %broadcast_in_dim3A_106) -> (vector<16xf32>, vector<16xf32>, vector<16xf32>, vector<16xf32>)  : i32 {
        %get3A = arith.constant 2 : i32
        %get3A_321 = arith.index_cast %get3A : i32 to index
        %get3A_322 = arith.index_cast %scan3A_316 : i32 to index
        %get3A_323 = arith.constant 0 : index
        %get3A_324 = tpu.vector_load %arg6[%get3A_321, %get3A_322, %get3A_323] {strides = array<i32>} : memref<4x208x64xf32, #tpu.memory_space<vmem>>, vector<1x1x16xf32>,
        %get3A_325 = vector.shape_cast %get3A_324 : vector<1x1x16xf32> to vector<16xf32>
        %add3A_326 = arith.addf %scan3A_317, %get3A_325 : vector<16xf32>
        %get3A_327 = arith.constant 2 : i32
        %get3A_328 = arith.index_cast %get3A_327 : i32 to index
        %get3A_329 = arith.index_cast %scan3A_316 : i32 to index
        %get3A_330 = arith.constant 16 : index
        %get3A_331 = tpu.vector_load %arg6[%get3A_328, %get3A_329, %get3A_330] {strides = array<i32>} : memref<4x208x64xf32, #tpu.memory_space<vmem>>, vector<1x1x16xf32>,
        %get3A_332 = vector.shape_cast %get3A_331 : vector<1x1x16xf32> to vector<16xf32>
        %add3A_333 = arith.addf %scan3A_318, %get3A_332 : vector<16xf32>
        %get3A_334 = arith.constant 2 : i32
        %get3A_335 = arith.index_cast %get3A_334 : i32 to index
        %get3A_336 = arith.index_cast %scan3A_316 : i32 to index
        %get3A_337 = arith.constant 32 : index
        %get3A_338 = tpu.vector_load %arg6[%get3A_335, %get3A_336, %get3A_337] {strides = array<i32>} : memref<4x208x64xf32, #tpu.memory_space<vmem>>, vector<1x1x16xf32>,
        %get3A_339 = vector.shape_cast %get3A_338 : vector<1x1x16xf32> to vector<16xf32>
        %add3A_340 = arith.addf %scan3A_319, %get3A_339 : vector<16xf32>
        %get3A_341 = arith.constant 2 : i32
        %get3A_342 = arith.index_cast %get3A_341 : i32 to index
        %get3A_343 = arith.index_cast %scan3A_316 : i32 to index
        %get3A_344 = arith.constant 48 : index
        %get3A_345 = tpu.vector_load %arg6[%get3A_342, %get3A_343, %get3A_344] {strides = array<i32>} : memref<4x208x64xf32, #tpu.memory_space<vmem>>, vector<1x1x16xf32>,
        %get3A_346 = vector.shape_cast %get3A_345 : vector<1x1x16xf32> to vector<16xf32>
        %add3A_347 = arith.addf %scan3A_320, %get3A_346 : vector<16xf32>
        %scan3A_348 = arith.constant 1 : i32
        %scan3A_349 = arith.addi %scan3A_316, %scan3A_348 : i32
        %get3A_350 = arith.constant 2 : i32
        %get3A_351 = arith.index_cast %get3A_350 : i32 to index
        %get3A_352 = arith.index_cast %scan3A_349 : i32 to index
        %get3A_353 = arith.constant 0 : index
        %get3A_354 = tpu.vector_load %arg6[%get3A_351, %get3A_352, %get3A_353] {strides = array<i32>} : memref<4x208x64xf32, #tpu.memory_space<vmem>>, vector<1x1x16xf32>,
        %get3A_355 = vector.shape_cast %get3A_354 : vector<1x1x16xf32> to vector<16xf32>
        %add3A_356 = arith.addf %add3A_326, %get3A_355 : vector<16xf32>
        %get3A_357 = arith.constant 2 : i32
        %get3A_358 = arith.index_cast %get3A_357 : i32 to index
        %get3A_359 = arith.index_cast %scan3A_349 : i32 to index
        %get3A_360 = arith.constant 16 : index
        %get3A_361 = tpu.vector_load %arg6[%get3A_358, %get3A_359, %get3A_360] {strides = array<i32>} : memref<4x208x64xf32, #tpu.memory_space<vmem>>, vector<1x1x16xf32>,
        %get3A_362 = vector.shape_cast %get3A_361 : vector<1x1x16xf32> to vector<16xf32>
        %add3A_363 = arith.addf %add3A_333, %get3A_362 : vector<16xf32>
        %get3A_364 = arith.constant 2 : i32
        %get3A_365 = arith.index_cast %get3A_364 : i32 to index
        %get3A_366 = arith.index_cast %scan3A_349 : i32 to index
        %get3A_367 = arith.constant 32 : index
        %get3A_368 = tpu.vector_load %arg6[%get3A_365, %get3A_366, %get3A_367] {strides = array<i32>} : memref<4x208x64xf32, #tpu.memory_space<vmem>>, vector<1x1x16xf32>,
        %get3A_369 = vector.shape_cast %get3A_368 : vector<1x1x16xf32> to vector<16xf32>
        %add3A_370 = arith.addf %add3A_340, %get3A_369 : vector<16xf32>
        %get3A_371 = arith.constant 2 : i32
        %get3A_372 = arith.index_cast %get3A_371 : i32 to index
        %get3A_373 = arith.index_cast %scan3A_349 : i32 to index
        %get3A_374 = arith.constant 48 : index
        %get3A_375 = tpu.vector_load %arg6[%get3A_372, %get3A_373, %get3A_374] {strides = array<i32>} : memref<4x208x64xf32, #tpu.memory_space<vmem>>, vector<1x1x16xf32>,
        %get3A_376 = vector.shape_cast %get3A_375 : vector<1x1x16xf32> to vector<16xf32>
        %add3A_377 = arith.addf %add3A_347, %get3A_376 : vector<16xf32>
        %scan3A_378 = arith.constant 2 : i32
        %scan3A_379 = arith.addi %scan3A_316, %scan3A_378 : i32
        %get3A_380 = arith.constant 2 : i32
        %get3A_381 = arith.index_cast %get3A_380 : i32 to index
        %get3A_382 = arith.index_cast %scan3A_379 : i32 to index
        %get3A_383 = arith.constant 0 : index
        %get3A_384 = tpu.vector_load %arg6[%get3A_381, %get3A_382, %get3A_383] {strides = array<i32>} : memref<4x208x64xf32, #tpu.memory_space<vmem>>, vector<1x1x16xf32>,
        %get3A_385 = vector.shape_cast %get3A_384 : vector<1x1x16xf32> to vector<16xf32>
        %add3A_386 = arith.addf %add3A_356, %get3A_385 : vector<16xf32>
        %get3A_387 = arith.constant 2 : i32
        %get3A_388 = arith.index_cast %get3A_387 : i32 to index
        %get3A_389 = arith.index_cast %scan3A_379 : i32 to index
        %get3A_390 = arith.constant 16 : index
        %get3A_391 = tpu.vector_load %arg6[%get3A_388, %get3A_389, %get3A_390] {strides = array<i32>} : memref<4x208x64xf32, #tpu.memory_space<vmem>>, vector<1x1x16xf32>,
        %get3A_392 = vector.shape_cast %get3A_391 : vector<1x1x16xf32> to vector<16xf32>
        %add3A_393 = arith.addf %add3A_363, %get3A_392 : vector<16xf32>
        %get3A_394 = arith.constant 2 : i32
        %get3A_395 = arith.index_cast %get3A_394 : i32 to index
        %get3A_396 = arith.index_cast %scan3A_379 : i32 to index
        %get3A_397 = arith.constant 32 : index
        %get3A_398 = tpu.vector_load %arg6[%get3A_395, %get3A_396, %get3A_397] {strides = array<i32>} : memref<4x208x64xf32, #tpu.memory_space<vmem>>, vector<1x1x16xf32>,
        %get3A_399 = vector.shape_cast %get3A_398 : vector<1x1x16xf32> to vector<16xf32>
        %add3A_400 = arith.addf %add3A_370, %get3A_399 : vector<16xf32>
        %get3A_401 = arith.constant 2 : i32
        %get3A_402 = arith.index_cast %get3A_401 : i32 to index
        %get3A_403 = arith.index_cast %scan3A_379 : i32 to index
        %get3A_404 = arith.constant 48 : index
        %get3A_405 = tpu.vector_load %arg6[%get3A_402, %get3A_403, %get3A_404] {strides = array<i32>} : memref<4x208x64xf32, #tpu.memory_space<vmem>>, vector<1x1x16xf32>,
        %get3A_406 = vector.shape_cast %get3A_405 : vector<1x1x16xf32> to vector<16xf32>
        %add3A_407 = arith.addf %add3A_377, %get3A_406 : vector<16xf32>
        %scan3A_408 = arith.constant 3 : i32
        %scan3A_409 = arith.addi %scan3A_316, %scan3A_408 : i32
        %get3A_410 = arith.constant 2 : i32
        %get3A_411 = arith.index_cast %get3A_410 : i32 to index
        %get3A_412 = arith.index_cast %scan3A_409 : i32 to index
        %get3A_413 = arith.constant 0 : index
        %get3A_414 = tpu.vector_load %arg6[%get3A_411, %get3A_412, %get3A_413] {strides = array<i32>} : memref<4x208x64xf32, #tpu.memory_space<vmem>>, vector<1x1x16xf32>,
        %get3A_415 = vector.shape_cast %get3A_414 : vector<1x1x16xf32> to vector<16xf32>
        %add3A_416 = arith.addf %add3A_386, %get3A_415 : vector<16xf32>
        %get3A_417 = arith.constant 2 : i32
        %get3A_418 = arith.index_cast %get3A_417 : i32 to index
        %get3A_419 = arith.index_cast %scan3A_409 : i32 to index
        %get3A_420 = arith.constant 16 : index
        %get3A_421 = tpu.vector_load %arg6[%get3A_418, %get3A_419, %get3A_420] {strides = array<i32>} : memref<4x208x64xf32, #tpu.memory_space<vmem>>, vector<1x1x16xf32>,
        %get3A_422 = vector.shape_cast %get3A_421 : vector<1x1x16xf32> to vector<16xf32>
        %add3A_423 = arith.addf %add3A_393, %get3A_422 : vector<16xf32>
        %get3A_424 = arith.constant 2 : i32
        %get3A_425 = arith.index_cast %get3A_424 : i32 to index
        %get3A_426 = arith.index_cast %scan3A_409 : i32 to index
        %get3A_427 = arith.constant 32 : index
        %get3A_428 = tpu.vector_load %arg6[%get3A_425, %get3A_426, %get3A_427] {strides = array<i32>} : memref<4x208x64xf32, #tpu.memory_space<vmem>>, vector<1x1x16xf32>,
        %get3A_429 = vector.shape_cast %get3A_428 : vector<1x1x16xf32> to vector<16xf32>
        %add3A_430 = arith.addf %add3A_400, %get3A_429 : vector<16xf32>
        %get3A_431 = arith.constant 2 : i32
        %get3A_432 = arith.index_cast %get3A_431 : i32 to index
        %get3A_433 = arith.index_cast %scan3A_409 : i32 to index
        %get3A_434 = arith.constant 48 : index
        %get3A_435 = tpu.vector_load %arg6[%get3A_432, %get3A_433, %get3A_434] {strides = array<i32>} : memref<4x208x64xf32, #tpu.memory_space<vmem>>, vector<1x1x16xf32>,
        %get3A_436 = vector.shape_cast %get3A_435 : vector<1x1x16xf32> to vector<16xf32>
        %add3A_437 = arith.addf %add3A_407, %get3A_436 : vector<16xf32>
        %scan3A_438 = arith.constant 4 : i32
        %scan3A_439 = arith.addi %scan3A_316, %scan3A_438 : i32
        %get3A_440 = arith.constant 2 : i32
        %get3A_441 = arith.index_cast %get3A_440 : i32 to index
        %get3A_442 = arith.index_cast %scan3A_439 : i32 to index
        %get3A_443 = arith.constant 0 : index
        %get3A_444 = tpu.vector_load %arg6[%get3A_441, %get3A_442, %get3A_443] {strides = array<i32>} : memref<4x208x64xf32, #tpu.memory_space<vmem>>, vector<1x1x16xf32>,
        %get3A_445 = vector.shape_cast %get3A_444 : vector<1x1x16xf32> to vector<16xf32>
        %add3A_446 = arith.addf %add3A_416, %get3A_445 : vector<16xf32>
        %get3A_447 = arith.constant 2 : i32
        %get3A_448 = arith.index_cast %get3A_447 : i32 to index
        %get3A_449 = arith.index_cast %scan3A_439 : i32 to index
        %get3A_450 = arith.constant 16 : index
        %get3A_451 = tpu.vector_load %arg6[%get3A_448, %get3A_449, %get3A_450] {strides = array<i32>} : memref<4x208x64xf32, #tpu.memory_space<vmem>>, vector<1x1x16xf32>,
        %get3A_452 = vector.shape_cast %get3A_451 : vector<1x1x16xf32> to vector<16xf32>
        %add3A_453 = arith.addf %add3A_423, %get3A_452 : vector<16xf32>
        %get3A_454 = arith.constant 2 : i32
        %get3A_455 = arith.index_cast %get3A_454 : i32 to index
        %get3A_456 = arith.index_cast %scan3A_439 : i32 to index
        %get3A_457 = arith.constant 32 : index
        %get3A_458 = tpu.vector_load %arg6[%get3A_455, %get3A_456, %get3A_457] {strides = array<i32>} : memref<4x208x64xf32, #tpu.memory_space<vmem>>, vector<1x1x16xf32>,
        %get3A_459 = vector.shape_cast %get3A_458 : vector<1x1x16xf32> to vector<16xf32>
        %add3A_460 = arith.addf %add3A_430, %get3A_459 : vector<16xf32>
        %get3A_461 = arith.constant 2 : i32
        %get3A_462 = arith.index_cast %get3A_461 : i32 to index
        %get3A_463 = arith.index_cast %scan3A_439 : i32 to index
        %get3A_464 = arith.constant 48 : index
        %get3A_465 = tpu.vector_load %arg6[%get3A_462, %get3A_463, %get3A_464] {strides = array<i32>} : memref<4x208x64xf32, #tpu.memory_space<vmem>>, vector<1x1x16xf32>,
        %get3A_466 = vector.shape_cast %get3A_465 : vector<1x1x16xf32> to vector<16xf32>
        %add3A_467 = arith.addf %add3A_437, %get3A_466 : vector<16xf32>
        %scan3A_468 = arith.constant 5 : i32
        %scan3A_469 = arith.addi %scan3A_316, %scan3A_468 : i32
        %get3A_470 = arith.constant 2 : i32
        %get3A_471 = arith.index_cast %get3A_470 : i32 to index
        %get3A_472 = arith.index_cast %scan3A_469 : i32 to index
        %get3A_473 = arith.constant 0 : index
        %get3A_474 = tpu.vector_load %arg6[%get3A_471, %get3A_472, %get3A_473] {strides = array<i32>} : memref<4x208x64xf32, #tpu.memory_space<vmem>>, vector<1x1x16xf32>,
        %get3A_475 = vector.shape_cast %get3A_474 : vector<1x1x16xf32> to vector<16xf32>
        %add3A_476 = arith.addf %add3A_446, %get3A_475 : vector<16xf32>
        %get3A_477 = arith.constant 2 : i32
        %get3A_478 = arith.index_cast %get3A_477 : i32 to index
        %get3A_479 = arith.index_cast %scan3A_469 : i32 to index
        %get3A_480 = arith.constant 16 : index
        %get3A_481 = tpu.vector_load %arg6[%get3A_478, %get3A_479, %get3A_480] {strides = array<i32>} : memref<4x208x64xf32, #tpu.memory_space<vmem>>, vector<1x1x16xf32>,
        %get3A_482 = vector.shape_cast %get3A_481 : vector<1x1x16xf32> to vector<16xf32>
        %add3A_483 = arith.addf %add3A_453, %get3A_482 : vector<16xf32>
        %get3A_484 = arith.constant 2 : i32
        %get3A_485 = arith.index_cast %get3A_484 : i32 to index
        %get3A_486 = arith.index_cast %scan3A_469 : i32 to index
        %get3A_487 = arith.constant 32 : index
        %get3A_488 = tpu.vector_load %arg6[%get3A_485, %get3A_486, %get3A_487] {strides = array<i32>} : memref<4x208x64xf32, #tpu.memory_space<vmem>>, vector<1x1x16xf32>,
        %get3A_489 = vector.shape_cast %get3A_488 : vector<1x1x16xf32> to vector<16xf32>
        %add3A_490 = arith.addf %add3A_460, %get3A_489 : vector<16xf32>
        %get3A_491 = arith.constant 2 : i32
        %get3A_492 = arith.index_cast %get3A_491 : i32 to index
        %get3A_493 = arith.index_cast %scan3A_469 : i32 to index
        %get3A_494 = arith.constant 48 : index
        %get3A_495 = tpu.vector_load %arg6[%get3A_492, %get3A_493, %get3A_494] {strides = array<i32>} : memref<4x208x64xf32, #tpu.memory_space<vmem>>, vector<1x1x16xf32>,
        %get3A_496 = vector.shape_cast %get3A_495 : vector<1x1x16xf32> to vector<16xf32>
        %add3A_497 = arith.addf %add3A_467, %get3A_496 : vector<16xf32>
        %scan3A_498 = arith.constant 6 : i32
        %scan3A_499 = arith.addi %scan3A_316, %scan3A_498 : i32
        %get3A_500 = arith.constant 2 : i32
        %get3A_501 = arith.index_cast %get3A_500 : i32 to index
        %get3A_502 = arith.index_cast %scan3A_499 : i32 to index
        %get3A_503 = arith.constant 0 : index
        %get3A_504 = tpu.vector_load %arg6[%get3A_501, %get3A_502, %get3A_503] {strides = array<i32>} : memref<4x208x64xf32, #tpu.memory_space<vmem>>, vector<1x1x16xf32>,
        %get3A_505 = vector.shape_cast %get3A_504 : vector<1x1x16xf32> to vector<16xf32>
        %add3A_506 = arith.addf %add3A_476, %get3A_505 : vector<16xf32>
        %get3A_507 = arith.constant 2 : i32
        %get3A_508 = arith.index_cast %get3A_507 : i32 to index
        %get3A_509 = arith.index_cast %scan3A_499 : i32 to index
        %get3A_510 = arith.constant 16 : index
        %get3A_511 = tpu.vector_load %arg6[%get3A_508, %get3A_509, %get3A_510] {strides = array<i32>} : memref<4x208x64xf32, #tpu.memory_space<vmem>>, vector<1x1x16xf32>,
        %get3A_512 = vector.shape_cast %get3A_511 : vector<1x1x16xf32> to vector<16xf32>
        %add3A_513 = arith.addf %add3A_483, %get3A_512 : vector<16xf32>
        %get3A_514 = arith.constant 2 : i32
        %get3A_515 = arith.index_cast %get3A_514 : i32 to index
        %get3A_516 = arith.index_cast %scan3A_499 : i32 to index
        %get3A_517 = arith.constant 32 : index
        %get3A_518 = tpu.vector_load %arg6[%get3A_515, %get3A_516, %get3A_517] {strides = array<i32>} : memref<4x208x64xf32, #tpu.memory_space<vmem>>, vector<1x1x16xf32>,
        %get3A_519 = vector.shape_cast %get3A_518 : vector<1x1x16xf32> to vector<16xf32>
        %add3A_520 = arith.addf %add3A_490, %get3A_519 : vector<16xf32>
        %get3A_521 = arith.constant 2 : i32
        %get3A_522 = arith.index_cast %get3A_521 : i32 to index
        %get3A_523 = arith.index_cast %scan3A_499 : i32 to index
        %get3A_524 = arith.constant 48 : index
        %get3A_525 = tpu.vector_load %arg6[%get3A_522, %get3A_523, %get3A_524] {strides = array<i32>} : memref<4x208x64xf32, #tpu.memory_space<vmem>>, vector<1x1x16xf32>,
        %get3A_526 = vector.shape_cast %get3A_525 : vector<1x1x16xf32> to vector<16xf32>
        %add3A_527 = arith.addf %add3A_497, %get3A_526 : vector<16xf32>
        %scan3A_528 = arith.constant 7 : i32
        %scan3A_529 = arith.addi %scan3A_316, %scan3A_528 : i32
        %get3A_530 = arith.constant 2 : i32
        %get3A_531 = arith.index_cast %get3A_530 : i32 to index
        %get3A_532 = arith.index_cast %scan3A_529 : i32 to index
        %get3A_533 = arith.constant 0 : index
        %get3A_534 = tpu.vector_load %arg6[%get3A_531, %get3A_532, %get3A_533] {strides = array<i32>} : memref<4x208x64xf32, #tpu.memory_space<vmem>>, vector<1x1x16xf32>,
        %get3A_535 = vector.shape_cast %get3A_534 : vector<1x1x16xf32> to vector<16xf32>
        %add3A_536 = arith.addf %add3A_506, %get3A_535 : vector<16xf32>
        %get3A_537 = arith.constant 2 : i32
        %get3A_538 = arith.index_cast %get3A_537 : i32 to index
        %get3A_539 = arith.index_cast %scan3A_529 : i32 to index
        %get3A_540 = arith.constant 16 : index
        %get3A_541 = tpu.vector_load %arg6[%get3A_538, %get3A_539, %get3A_540] {strides = array<i32>} : memref<4x208x64xf32, #tpu.memory_space<vmem>>, vector<1x1x16xf32>,
        %get3A_542 = vector.shape_cast %get3A_541 : vector<1x1x16xf32> to vector<16xf32>
        %add3A_543 = arith.addf %add3A_513, %get3A_542 : vector<16xf32>
        %get3A_544 = arith.constant 2 : i32
        %get3A_545 = arith.index_cast %get3A_544 : i32 to index
        %get3A_546 = arith.index_cast %scan3A_529 : i32 to index
        %get3A_547 = arith.constant 32 : index
        %get3A_548 = tpu.vector_load %arg6[%get3A_545, %get3A_546, %get3A_547] {strides = array<i32>} : memref<4x208x64xf32, #tpu.memory_space<vmem>>, vector<1x1x16xf32>,
        %get3A_549 = vector.shape_cast %get3A_548 : vector<1x1x16xf32> to vector<16xf32>
        %add3A_550 = arith.addf %add3A_520, %get3A_549 : vector<16xf32>
        %get3A_551 = arith.constant 2 : i32
        %get3A_552 = arith.index_cast %get3A_551 : i32 to index
        %get3A_553 = arith.index_cast %scan3A_529 : i32 to index
        %get3A_554 = arith.constant 48 : index
        %get3A_555 = tpu.vector_load %arg6[%get3A_552, %get3A_553, %get3A_554] {strides = array<i32>} : memref<4x208x64xf32, #tpu.memory_space<vmem>>, vector<1x1x16xf32>,
        %get3A_556 = vector.shape_cast %get3A_555 : vector<1x1x16xf32> to vector<16xf32>
        %add3A_557 = arith.addf %add3A_527, %get3A_556 : vector<16xf32>
        scf.yield %add3A_536, %add3A_543, %add3A_550, %add3A_557 : vector<16xf32>, vector<16xf32>, vector<16xf32>, vector<16xf32>
      }
      %scan3A_236 = arith.constant 208 : i32
      %swap3A_237 = arith.index_cast %add3A_215 : i32 to index
      %swap3A_238 = arith.constant 0 : index
      %swap3A_239 = tpu.vector_load %arg7[%swap3A_237, %swap3A_238] {strides = array<i32>} : memref<128x64xf32, #tpu.memory_space<vmem>>, vector<1x16xf32>,
      %swap3A_240 = vector.shape_cast %swap3A_239 : vector<1x16xf32> to vector<16xf32>
      %swap3A_241 = vector.shape_cast %scan3A_235#0 : vector<16xf32> to vector<1x16xf32>
      tpu.vector_store %arg7[%swap3A_237, %swap3A_238], %swap3A_241 {strides = array<i32>} : memref<128x64xf32, #tpu.memory_space<vmem>>, vector<1x16xf32>,
      %swap3A_242 = arith.index_cast %add3A_215 : i32 to index
      %swap3A_243 = arith.constant 16 : index
      %swap3A_244 = tpu.vector_load %arg7[%swap3A_242, %swap3A_243] {strides = array<i32>} : memref<128x64xf32, #tpu.memory_space<vmem>>, vector<1x16xf32>,
      %swap3A_245 = vector.shape_cast %swap3A_244 : vector<1x16xf32> to vector<16xf32>
      %swap3A_246 = vector.shape_cast %scan3A_235#1 : vector<16xf32> to vector<1x16xf32>
      tpu.vector_store %arg7[%swap3A_242, %swap3A_243], %swap3A_246 {strides = array<i32>} : memref<128x64xf32, #tpu.memory_space<vmem>>, vector<1x16xf32>,
      %swap3A_247 = arith.index_cast %add3A_215 : i32 to index
      %swap3A_248 = arith.constant 32 : index
      %swap3A_249 = tpu.vector_load %arg7[%swap3A_247, %swap3A_248] {strides = array<i32>} : memref<128x64xf32, #tpu.memory_space<vmem>>, vector<1x16xf32>,
      %swap3A_250 = vector.shape_cast %swap3A_249 : vector<1x16xf32> to vector<16xf32>
      %swap3A_251 = vector.shape_cast %scan3A_235#2 : vector<16xf32> to vector<1x16xf32>
      tpu.vector_store %arg7[%swap3A_247, %swap3A_248], %swap3A_251 {strides = array<i32>} : memref<128x64xf32, #tpu.memory_space<vmem>>, vector<1x16xf32>,
      %swap3A_252 = arith.index_cast %add3A_215 : i32 to index
      %swap3A_253 = arith.constant 48 : index
      %swap3A_254 = tpu.vector_load %arg7[%swap3A_252, %swap3A_253] {strides = array<i32>} : memref<128x64xf32, #tpu.memory_space<vmem>>, vector<1x16xf32>,
      %swap3A_255 = vector.shape_cast %swap3A_254 : vector<1x16xf32> to vector<16xf32>
      %swap3A_256 = vector.shape_cast %scan3A_235#3 : vector<16xf32> to vector<1x16xf32>
      tpu.vector_store %arg7[%swap3A_252, %swap3A_253], %swap3A_256 {strides = array<i32>} : memref<128x64xf32, #tpu.memory_space<vmem>>, vector<1x16xf32>,
      %add3A_257 = arith.constant 4 : i32
      %add3A_258 = arith.addi %add3A_215, %add3A_257 : i32
      %lt3A_259 = arith.constant 128 : i32
      %lt3A_260 = arith.cmpi slt, %add3A_258, %lt3A_259 : i32
      %convert_element_type3A_261 = arith.extui %lt3A_260 : i1 to i32
      %cond3A_262 = arith.constant 0 : i32
      %cond3A_263 = arith.cmpi ne, %convert_element_type3A_261, %cond3A_262 : i32
      scf.if %cond3A_263 {
        %dma_start3A_316 = arith.constant 0 : i32
        %dma_start3A_317 = arith.constant 2 : i32
        %dma_start3A_318 = arith.constant 0 : i32
        %dma_start3A_319 = arith.constant 0 : i32
        %dma_start3A_320 = tpu.memref_slice %arg6[%dma_start3A_317, %dma_start3A_318, %dma_start3A_319] : memref<4x208x64xf32, #tpu.memory_space<vmem>> -> memref<1x104x64xf32, #tpu.memory_space<vmem>>
        %dma_start3A_321 = tpu.memref_squeeze %dma_start3A_320 : memref<1x104x64xf32, #tpu.memory_space<vmem>> -> memref<104x64xf32, #tpu.memory_space<vmem>>
        %dma_start3A_322 = arith.constant 0 : i32
        %dma_start3A_323 = tpu.memref_slice %arg5[%add3A_258, %dma_start3A_316, %dma_start3A_322] : memref<128x2x104xi32, #tpu.memory_space<vmem>> -> memref<1x1x104xi32, #tpu.memory_space<vmem>>
        %dma_start3A_324 = tpu.memref_squeeze %dma_start3A_323 : memref<1x1x104xi32, #tpu.memory_space<vmem>> -> memref<104xi32, #tpu.memory_space<vmem>>
        %dma_start3A_325 = arith.constant 0 : i32
        %dma_start3A_326 = arith.constant 0 : i32
        %dma_start3A_327 = tpu.memref_slice %arg3[%dma_start3A_325, %dma_start3A_326] : memref<1000000x64xf32, #tpu.memory_space<hbm>> -> memref<1000000x64xf32, #tpu.memory_space<hbm>>
        tpu.enqueue_indirect_dma source(%dma_start3A_327 : memref<1000000x64xf32, #tpu.memory_space<hbm>>) target(%dma_start3A_321 : memref<104x64xf32, #tpu.memory_space<vmem>>) offsets(%dma_start3A_324 : memref<104xi32, #tpu.memory_space<vmem>>) semaphore(%arg10 : memref<!tpu.dma_semaphore, #tpu.memory_space<semaphore_mem>>)
        %dma_start3A_328 = arith.constant 1 : i32
        %dma_start3A_329 = arith.constant 2 : i32
        %dma_start3A_330 = arith.constant 104 : i32
        %dma_start3A_331 = arith.constant 0 : i32
        %dma_start3A_332 = tpu.memref_slice %arg6[%dma_start3A_329, %dma_start3A_330, %dma_start3A_331] : memref<4x208x64xf32, #tpu.memory_space<vmem>> -> memref<1x104x64xf32, #tpu.memory_space<vmem>>
        %dma_start3A_333 = tpu.memref_squeeze %dma_start3A_332 : memref<1x104x64xf32, #tpu.memory_space<vmem>> -> memref<104x64xf32, #tpu.memory_space<vmem>>
        %dma_start3A_334 = arith.constant 0 : i32
        %dma_start3A_335 = tpu.memref_slice %arg5[%add3A_258, %dma_start3A_328, %dma_start3A_334] : memref<128x2x104xi32, #tpu.memory_space<vmem>> -> memref<1x1x104xi32, #tpu.memory_space<vmem>>
        %dma_start3A_336 = tpu.memref_squeeze %dma_start3A_335 : memref<1x1x104xi32, #tpu.memory_space<vmem>> -> memref<104xi32, #tpu.memory_space<vmem>>
        %dma_start3A_337 = arith.constant 0 : i32
        %dma_start3A_338 = arith.constant 0 : i32
        %dma_start3A_339 = tpu.memref_slice %arg3[%dma_start3A_337, %dma_start3A_338] : memref<1000000x64xf32, #tpu.memory_space<hbm>> -> memref<1000000x64xf32, #tpu.memory_space<hbm>>
        tpu.enqueue_indirect_dma source(%dma_start3A_339 : memref<1000000x64xf32, #tpu.memory_space<hbm>>) target(%dma_start3A_333 : memref<104x64xf32, #tpu.memory_space<vmem>>) offsets(%dma_start3A_336 : memref<104xi32, #tpu.memory_space<vmem>>) semaphore(%arg10 : memref<!tpu.dma_semaphore, #tpu.memory_space<semaphore_mem>>)
      } else {
      }
      %mul3A_264 = arith.constant 4 : i32
      %mul3A_265 = arith.muli %scan3A_112, %mul3A_264 : i32
      %add3A_266 = arith.constant 3 : i32
      %add3A_267 = arith.addi %mul3A_265, %add3A_266 : i32
      %dma_wait3A_268 = arith.constant 3 : i32
      %dma_wait3A_269 = arith.constant 0 : i32
      %dma_wait3A_270 = arith.constant 0 : i32
      %dma_wait3A_271 = tpu.memref_slice %arg6[%dma_wait3A_268, %dma_wait3A_269, %dma_wait3A_270] : memref<4x208x64xf32, #tpu.memory_space<vmem>> -> memref<1x208x64xf32, #tpu.memory_space<vmem>>
      %dma_wait3A_272 = tpu.memref_squeeze %dma_wait3A_271 : memref<1x208x64xf32, #tpu.memory_space<vmem>> -> memref<208x64xf32, #tpu.memory_space<vmem>>
      %dma_wait3A_273 = arith.constant 0 : i32
      %dma_wait3A_274 = arith.constant 0 : i32
      %dma_wait3A_275 = tpu.memref_slice %arg3[%dma_wait3A_273, %dma_wait3A_274] : memref<1000000x64xf32, #tpu.memory_space<hbm>> -> memref<208x64xf32, #tpu.memory_space<hbm>>
      %dma_wait3A_276 = arith.constant 0 : i32
      %dma_wait3A_277 = arith.constant 0 : i32
      %dma_wait3A_278 = tpu.memref_slice %arg6[%dma_wait3A_268, %dma_wait3A_276, %dma_wait3A_277] : memref<4x208x64xf32, #tpu.memory_space<vmem>> -> memref<1x208x64xf32, #tpu.memory_space<vmem>>
      %dma_wait3A_279 = tpu.memref_squeeze %dma_wait3A_278 : memref<1x208x64xf32, #tpu.memory_space<vmem>> -> memref<208x64xf32, #tpu.memory_space<vmem>>
      %dma_wait3A_280 = arith.constant 0 : i32
      %dma_wait3A_281 = arith.constant 0 : i32
      %dma_wait3A_282 = tpu.memref_slice %arg3[%dma_wait3A_280, %dma_wait3A_281] : memref<1000000x64xf32, #tpu.memory_space<hbm>> -> memref<208x64xf32, #tpu.memory_space<hbm>>
      tpu.wait_dma2 semaphore(%arg11 : memref<!tpu.dma_semaphore, #tpu.memory_space<semaphore_mem>>) src(%dma_wait3A_282 : memref<208x64xf32, #tpu.memory_space<hbm>>) dst(%dma_wait3A_279 : memref<208x64xf32, #tpu.memory_space<vmem>>)
      %scan3A_283 = arith.constant 0 : i32
      %scan3A_284 = arith.constant 208 : i32
      %scan3A_285 = arith.addi %scan3A_283, %scan3A_284 : i32
      %scan3A_286 = arith.constant 8 : i32
      %scan3A_287:4 = scf.for %scan3A_316 = %scan3A_283 to %scan3A_285 step %scan3A_286 iter_args(%scan3A_317 = %broadcast_in_dim3A_106, %scan3A_318 = %broadcast_in_dim3A_106, %scan3A_319 = %broadcast_in_dim3A_106, %scan3A_320 = %broadcast_in_dim3A_106) -> (vector<16xf32>, vector<16xf32>, vector<16xf32>, vector<16xf32>)  : i32 {
        %get3A = arith.constant 3 : i32
        %get3A_321 = arith.index_cast %get3A : i32 to index
        %get3A_322 = arith.index_cast %scan3A_316 : i32 to index
        %get3A_323 = arith.constant 0 : index
        %get3A_324 = tpu.vector_load %arg6[%get3A_321, %get3A_322, %get3A_323] {strides = array<i32>} : memref<4x208x64xf32, #tpu.memory_space<vmem>>, vector<1x1x16xf32>,
        %get3A_325 = vector.shape_cast %get3A_324 : vector<1x1x16xf32> to vector<16xf32>
        %add3A_326 = arith.addf %scan3A_317, %get3A_325 : vector<16xf32>
        %get3A_327 = arith.constant 3 : i32
        %get3A_328 = arith.index_cast %get3A_327 : i32 to index
        %get3A_329 = arith.index_cast %scan3A_316 : i32 to index
        %get3A_330 = arith.constant 16 : index
        %get3A_331 = tpu.vector_load %arg6[%get3A_328, %get3A_329, %get3A_330] {strides = array<i32>} : memref<4x208x64xf32, #tpu.memory_space<vmem>>, vector<1x1x16xf32>,
        %get3A_332 = vector.shape_cast %get3A_331 : vector<1x1x16xf32> to vector<16xf32>
        %add3A_333 = arith.addf %scan3A_318, %get3A_332 : vector<16xf32>
        %get3A_334 = arith.constant 3 : i32
        %get3A_335 = arith.index_cast %get3A_334 : i32 to index
        %get3A_336 = arith.index_cast %scan3A_316 : i32 to index
        %get3A_337 = arith.constant 32 : index
        %get3A_338 = tpu.vector_load %arg6[%get3A_335, %get3A_336, %get3A_337] {strides = array<i32>} : memref<4x208x64xf32, #tpu.memory_space<vmem>>, vector<1x1x16xf32>,
        %get3A_339 = vector.shape_cast %get3A_338 : vector<1x1x16xf32> to vector<16xf32>
        %add3A_340 = arith.addf %scan3A_319, %get3A_339 : vector<16xf32>
        %get3A_341 = arith.constant 3 : i32
        %get3A_342 = arith.index_cast %get3A_341 : i32 to index
        %get3A_343 = arith.index_cast %scan3A_316 : i32 to index
        %get3A_344 = arith.constant 48 : index
        %get3A_345 = tpu.vector_load %arg6[%get3A_342, %get3A_343, %get3A_344] {strides = array<i32>} : memref<4x208x64xf32, #tpu.memory_space<vmem>>, vector<1x1x16xf32>,
        %get3A_346 = vector.shape_cast %get3A_345 : vector<1x1x16xf32> to vector<16xf32>
        %add3A_347 = arith.addf %scan3A_320, %get3A_346 : vector<16xf32>
        %scan3A_348 = arith.constant 1 : i32
        %scan3A_349 = arith.addi %scan3A_316, %scan3A_348 : i32
        %get3A_350 = arith.constant 3 : i32
        %get3A_351 = arith.index_cast %get3A_350 : i32 to index
        %get3A_352 = arith.index_cast %scan3A_349 : i32 to index
        %get3A_353 = arith.constant 0 : index
        %get3A_354 = tpu.vector_load %arg6[%get3A_351, %get3A_352, %get3A_353] {strides = array<i32>} : memref<4x208x64xf32, #tpu.memory_space<vmem>>, vector<1x1x16xf32>,
        %get3A_355 = vector.shape_cast %get3A_354 : vector<1x1x16xf32> to vector<16xf32>
        %add3A_356 = arith.addf %add3A_326, %get3A_355 : vector<16xf32>
        %get3A_357 = arith.constant 3 : i32
        %get3A_358 = arith.index_cast %get3A_357 : i32 to index
        %get3A_359 = arith.index_cast %scan3A_349 : i32 to index
        %get3A_360 = arith.constant 16 : index
        %get3A_361 = tpu.vector_load %arg6[%get3A_358, %get3A_359, %get3A_360] {strides = array<i32>} : memref<4x208x64xf32, #tpu.memory_space<vmem>>, vector<1x1x16xf32>,
        %get3A_362 = vector.shape_cast %get3A_361 : vector<1x1x16xf32> to vector<16xf32>
        %add3A_363 = arith.addf %add3A_333, %get3A_362 : vector<16xf32>
        %get3A_364 = arith.constant 3 : i32
        %get3A_365 = arith.index_cast %get3A_364 : i32 to index
        %get3A_366 = arith.index_cast %scan3A_349 : i32 to index
        %get3A_367 = arith.constant 32 : index
        %get3A_368 = tpu.vector_load %arg6[%get3A_365, %get3A_366, %get3A_367] {strides = array<i32>} : memref<4x208x64xf32, #tpu.memory_space<vmem>>, vector<1x1x16xf32>,
        %get3A_369 = vector.shape_cast %get3A_368 : vector<1x1x16xf32> to vector<16xf32>
        %add3A_370 = arith.addf %add3A_340, %get3A_369 : vector<16xf32>
        %get3A_371 = arith.constant 3 : i32
        %get3A_372 = arith.index_cast %get3A_371 : i32 to index
        %get3A_373 = arith.index_cast %scan3A_349 : i32 to index
        %get3A_374 = arith.constant 48 : index
        %get3A_375 = tpu.vector_load %arg6[%get3A_372, %get3A_373, %get3A_374] {strides = array<i32>} : memref<4x208x64xf32, #tpu.memory_space<vmem>>, vector<1x1x16xf32>,
        %get3A_376 = vector.shape_cast %get3A_375 : vector<1x1x16xf32> to vector<16xf32>
        %add3A_377 = arith.addf %add3A_347, %get3A_376 : vector<16xf32>
        %scan3A_378 = arith.constant 2 : i32
        %scan3A_379 = arith.addi %scan3A_316, %scan3A_378 : i32
        %get3A_380 = arith.constant 3 : i32
        %get3A_381 = arith.index_cast %get3A_380 : i32 to index
        %get3A_382 = arith.index_cast %scan3A_379 : i32 to index
        %get3A_383 = arith.constant 0 : index
        %get3A_384 = tpu.vector_load %arg6[%get3A_381, %get3A_382, %get3A_383] {strides = array<i32>} : memref<4x208x64xf32, #tpu.memory_space<vmem>>, vector<1x1x16xf32>,
        %get3A_385 = vector.shape_cast %get3A_384 : vector<1x1x16xf32> to vector<16xf32>
        %add3A_386 = arith.addf %add3A_356, %get3A_385 : vector<16xf32>
        %get3A_387 = arith.constant 3 : i32
        %get3A_388 = arith.index_cast %get3A_387 : i32 to index
        %get3A_389 = arith.index_cast %scan3A_379 : i32 to index
        %get3A_390 = arith.constant 16 : index
        %get3A_391 = tpu.vector_load %arg6[%get3A_388, %get3A_389, %get3A_390] {strides = array<i32>} : memref<4x208x64xf32, #tpu.memory_space<vmem>>, vector<1x1x16xf32>,
        %get3A_392 = vector.shape_cast %get3A_391 : vector<1x1x16xf32> to vector<16xf32>
        %add3A_393 = arith.addf %add3A_363, %get3A_392 : vector<16xf32>
        %get3A_394 = arith.constant 3 : i32
        %get3A_395 = arith.index_cast %get3A_394 : i32 to index
        %get3A_396 = arith.index_cast %scan3A_379 : i32 to index
        %get3A_397 = arith.constant 32 : index
        %get3A_398 = tpu.vector_load %arg6[%get3A_395, %get3A_396, %get3A_397] {strides = array<i32>} : memref<4x208x64xf32, #tpu.memory_space<vmem>>, vector<1x1x16xf32>,
        %get3A_399 = vector.shape_cast %get3A_398 : vector<1x1x16xf32> to vector<16xf32>
        %add3A_400 = arith.addf %add3A_370, %get3A_399 : vector<16xf32>
        %get3A_401 = arith.constant 3 : i32
        %get3A_402 = arith.index_cast %get3A_401 : i32 to index
        %get3A_403 = arith.index_cast %scan3A_379 : i32 to index
        %get3A_404 = arith.constant 48 : index
        %get3A_405 = tpu.vector_load %arg6[%get3A_402, %get3A_403, %get3A_404] {strides = array<i32>} : memref<4x208x64xf32, #tpu.memory_space<vmem>>, vector<1x1x16xf32>,
        %get3A_406 = vector.shape_cast %get3A_405 : vector<1x1x16xf32> to vector<16xf32>
        %add3A_407 = arith.addf %add3A_377, %get3A_406 : vector<16xf32>
        %scan3A_408 = arith.constant 3 : i32
        %scan3A_409 = arith.addi %scan3A_316, %scan3A_408 : i32
        %get3A_410 = arith.constant 3 : i32
        %get3A_411 = arith.index_cast %get3A_410 : i32 to index
        %get3A_412 = arith.index_cast %scan3A_409 : i32 to index
        %get3A_413 = arith.constant 0 : index
        %get3A_414 = tpu.vector_load %arg6[%get3A_411, %get3A_412, %get3A_413] {strides = array<i32>} : memref<4x208x64xf32, #tpu.memory_space<vmem>>, vector<1x1x16xf32>,
        %get3A_415 = vector.shape_cast %get3A_414 : vector<1x1x16xf32> to vector<16xf32>
        %add3A_416 = arith.addf %add3A_386, %get3A_415 : vector<16xf32>
        %get3A_417 = arith.constant 3 : i32
        %get3A_418 = arith.index_cast %get3A_417 : i32 to index
        %get3A_419 = arith.index_cast %scan3A_409 : i32 to index
        %get3A_420 = arith.constant 16 : index
        %get3A_421 = tpu.vector_load %arg6[%get3A_418, %get3A_419, %get3A_420] {strides = array<i32>} : memref<4x208x64xf32, #tpu.memory_space<vmem>>, vector<1x1x16xf32>,
        %get3A_422 = vector.shape_cast %get3A_421 : vector<1x1x16xf32> to vector<16xf32>
        %add3A_423 = arith.addf %add3A_393, %get3A_422 : vector<16xf32>
        %get3A_424 = arith.constant 3 : i32
        %get3A_425 = arith.index_cast %get3A_424 : i32 to index
        %get3A_426 = arith.index_cast %scan3A_409 : i32 to index
        %get3A_427 = arith.constant 32 : index
        %get3A_428 = tpu.vector_load %arg6[%get3A_425, %get3A_426, %get3A_427] {strides = array<i32>} : memref<4x208x64xf32, #tpu.memory_space<vmem>>, vector<1x1x16xf32>,
        %get3A_429 = vector.shape_cast %get3A_428 : vector<1x1x16xf32> to vector<16xf32>
        %add3A_430 = arith.addf %add3A_400, %get3A_429 : vector<16xf32>
        %get3A_431 = arith.constant 3 : i32
        %get3A_432 = arith.index_cast %get3A_431 : i32 to index
        %get3A_433 = arith.index_cast %scan3A_409 : i32 to index
        %get3A_434 = arith.constant 48 : index
        %get3A_435 = tpu.vector_load %arg6[%get3A_432, %get3A_433, %get3A_434] {strides = array<i32>} : memref<4x208x64xf32, #tpu.memory_space<vmem>>, vector<1x1x16xf32>,
        %get3A_436 = vector.shape_cast %get3A_435 : vector<1x1x16xf32> to vector<16xf32>
        %add3A_437 = arith.addf %add3A_407, %get3A_436 : vector<16xf32>
        %scan3A_438 = arith.constant 4 : i32
        %scan3A_439 = arith.addi %scan3A_316, %scan3A_438 : i32
        %get3A_440 = arith.constant 3 : i32
        %get3A_441 = arith.index_cast %get3A_440 : i32 to index
        %get3A_442 = arith.index_cast %scan3A_439 : i32 to index
        %get3A_443 = arith.constant 0 : index
        %get3A_444 = tpu.vector_load %arg6[%get3A_441, %get3A_442, %get3A_443] {strides = array<i32>} : memref<4x208x64xf32, #tpu.memory_space<vmem>>, vector<1x1x16xf32>,
        %get3A_445 = vector.shape_cast %get3A_444 : vector<1x1x16xf32> to vector<16xf32>
        %add3A_446 = arith.addf %add3A_416, %get3A_445 : vector<16xf32>
        %get3A_447 = arith.constant 3 : i32
        %get3A_448 = arith.index_cast %get3A_447 : i32 to index
        %get3A_449 = arith.index_cast %scan3A_439 : i32 to index
        %get3A_450 = arith.constant 16 : index
        %get3A_451 = tpu.vector_load %arg6[%get3A_448, %get3A_449, %get3A_450] {strides = array<i32>} : memref<4x208x64xf32, #tpu.memory_space<vmem>>, vector<1x1x16xf32>,
        %get3A_452 = vector.shape_cast %get3A_451 : vector<1x1x16xf32> to vector<16xf32>
        %add3A_453 = arith.addf %add3A_423, %get3A_452 : vector<16xf32>
        %get3A_454 = arith.constant 3 : i32
        %get3A_455 = arith.index_cast %get3A_454 : i32 to index
        %get3A_456 = arith.index_cast %scan3A_439 : i32 to index
        %get3A_457 = arith.constant 32 : index
        %get3A_458 = tpu.vector_load %arg6[%get3A_455, %get3A_456, %get3A_457] {strides = array<i32>} : memref<4x208x64xf32, #tpu.memory_space<vmem>>, vector<1x1x16xf32>,
        %get3A_459 = vector.shape_cast %get3A_458 : vector<1x1x16xf32> to vector<16xf32>
        %add3A_460 = arith.addf %add3A_430, %get3A_459 : vector<16xf32>
        %get3A_461 = arith.constant 3 : i32
        %get3A_462 = arith.index_cast %get3A_461 : i32 to index
        %get3A_463 = arith.index_cast %scan3A_439 : i32 to index
        %get3A_464 = arith.constant 48 : index
        %get3A_465 = tpu.vector_load %arg6[%get3A_462, %get3A_463, %get3A_464] {strides = array<i32>} : memref<4x208x64xf32, #tpu.memory_space<vmem>>, vector<1x1x16xf32>,
        %get3A_466 = vector.shape_cast %get3A_465 : vector<1x1x16xf32> to vector<16xf32>
        %add3A_467 = arith.addf %add3A_437, %get3A_466 : vector<16xf32>
        %scan3A_468 = arith.constant 5 : i32
        %scan3A_469 = arith.addi %scan3A_316, %scan3A_468 : i32
        %get3A_470 = arith.constant 3 : i32
        %get3A_471 = arith.index_cast %get3A_470 : i32 to index
        %get3A_472 = arith.index_cast %scan3A_469 : i32 to index
        %get3A_473 = arith.constant 0 : index
        %get3A_474 = tpu.vector_load %arg6[%get3A_471, %get3A_472, %get3A_473] {strides = array<i32>} : memref<4x208x64xf32, #tpu.memory_space<vmem>>, vector<1x1x16xf32>,
        %get3A_475 = vector.shape_cast %get3A_474 : vector<1x1x16xf32> to vector<16xf32>
        %add3A_476 = arith.addf %add3A_446, %get3A_475 : vector<16xf32>
        %get3A_477 = arith.constant 3 : i32
        %get3A_478 = arith.index_cast %get3A_477 : i32 to index
        %get3A_479 = arith.index_cast %scan3A_469 : i32 to index
        %get3A_480 = arith.constant 16 : index
        %get3A_481 = tpu.vector_load %arg6[%get3A_478, %get3A_479, %get3A_480] {strides = array<i32>} : memref<4x208x64xf32, #tpu.memory_space<vmem>>, vector<1x1x16xf32>,
        %get3A_482 = vector.shape_cast %get3A_481 : vector<1x1x16xf32> to vector<16xf32>
        %add3A_483 = arith.addf %add3A_453, %get3A_482 : vector<16xf32>
        %get3A_484 = arith.constant 3 : i32
        %get3A_485 = arith.index_cast %get3A_484 : i32 to index
        %get3A_486 = arith.index_cast %scan3A_469 : i32 to index
        %get3A_487 = arith.constant 32 : index
        %get3A_488 = tpu.vector_load %arg6[%get3A_485, %get3A_486, %get3A_487] {strides = array<i32>} : memref<4x208x64xf32, #tpu.memory_space<vmem>>, vector<1x1x16xf32>,
        %get3A_489 = vector.shape_cast %get3A_488 : vector<1x1x16xf32> to vector<16xf32>
        %add3A_490 = arith.addf %add3A_460, %get3A_489 : vector<16xf32>
        %get3A_491 = arith.constant 3 : i32
        %get3A_492 = arith.index_cast %get3A_491 : i32 to index
        %get3A_493 = arith.index_cast %scan3A_469 : i32 to index
        %get3A_494 = arith.constant 48 : index
        %get3A_495 = tpu.vector_load %arg6[%get3A_492, %get3A_493, %get3A_494] {strides = array<i32>} : memref<4x208x64xf32, #tpu.memory_space<vmem>>, vector<1x1x16xf32>,
        %get3A_496 = vector.shape_cast %get3A_495 : vector<1x1x16xf32> to vector<16xf32>
        %add3A_497 = arith.addf %add3A_467, %get3A_496 : vector<16xf32>
        %scan3A_498 = arith.constant 6 : i32
        %scan3A_499 = arith.addi %scan3A_316, %scan3A_498 : i32
        %get3A_500 = arith.constant 3 : i32
        %get3A_501 = arith.index_cast %get3A_500 : i32 to index
        %get3A_502 = arith.index_cast %scan3A_499 : i32 to index
        %get3A_503 = arith.constant 0 : index
        %get3A_504 = tpu.vector_load %arg6[%get3A_501, %get3A_502, %get3A_503] {strides = array<i32>} : memref<4x208x64xf32, #tpu.memory_space<vmem>>, vector<1x1x16xf32>,
        %get3A_505 = vector.shape_cast %get3A_504 : vector<1x1x16xf32> to vector<16xf32>
        %add3A_506 = arith.addf %add3A_476, %get3A_505 : vector<16xf32>
        %get3A_507 = arith.constant 3 : i32
        %get3A_508 = arith.index_cast %get3A_507 : i32 to index
        %get3A_509 = arith.index_cast %scan3A_499 : i32 to index
        %get3A_510 = arith.constant 16 : index
        %get3A_511 = tpu.vector_load %arg6[%get3A_508, %get3A_509, %get3A_510] {strides = array<i32>} : memref<4x208x64xf32, #tpu.memory_space<vmem>>, vector<1x1x16xf32>,
        %get3A_512 = vector.shape_cast %get3A_511 : vector<1x1x16xf32> to vector<16xf32>
        %add3A_513 = arith.addf %add3A_483, %get3A_512 : vector<16xf32>
        %get3A_514 = arith.constant 3 : i32
        %get3A_515 = arith.index_cast %get3A_514 : i32 to index
        %get3A_516 = arith.index_cast %scan3A_499 : i32 to index
        %get3A_517 = arith.constant 32 : index
        %get3A_518 = tpu.vector_load %arg6[%get3A_515, %get3A_516, %get3A_517] {strides = array<i32>} : memref<4x208x64xf32, #tpu.memory_space<vmem>>, vector<1x1x16xf32>,
        %get3A_519 = vector.shape_cast %get3A_518 : vector<1x1x16xf32> to vector<16xf32>
        %add3A_520 = arith.addf %add3A_490, %get3A_519 : vector<16xf32>
        %get3A_521 = arith.constant 3 : i32
        %get3A_522 = arith.index_cast %get3A_521 : i32 to index
        %get3A_523 = arith.index_cast %scan3A_499 : i32 to index
        %get3A_524 = arith.constant 48 : index
        %get3A_525 = tpu.vector_load %arg6[%get3A_522, %get3A_523, %get3A_524] {strides = array<i32>} : memref<4x208x64xf32, #tpu.memory_space<vmem>>, vector<1x1x16xf32>,
        %get3A_526 = vector.shape_cast %get3A_525 : vector<1x1x16xf32> to vector<16xf32>
        %add3A_527 = arith.addf %add3A_497, %get3A_526 : vector<16xf32>
        %scan3A_528 = arith.constant 7 : i32
        %scan3A_529 = arith.addi %scan3A_316, %scan3A_528 : i32
        %get3A_530 = arith.constant 3 : i32
        %get3A_531 = arith.index_cast %get3A_530 : i32 to index
        %get3A_532 = arith.index_cast %scan3A_529 : i32 to index
        %get3A_533 = arith.constant 0 : index
        %get3A_534 = tpu.vector_load %arg6[%get3A_531, %get3A_532, %get3A_533] {strides = array<i32>} : memref<4x208x64xf32, #tpu.memory_space<vmem>>, vector<1x1x16xf32>,
        %get3A_535 = vector.shape_cast %get3A_534 : vector<1x1x16xf32> to vector<16xf32>
        %add3A_536 = arith.addf %add3A_506, %get3A_535 : vector<16xf32>
        %get3A_537 = arith.constant 3 : i32
        %get3A_538 = arith.index_cast %get3A_537 : i32 to index
        %get3A_539 = arith.index_cast %scan3A_529 : i32 to index
        %get3A_540 = arith.constant 16 : index
        %get3A_541 = tpu.vector_load %arg6[%get3A_538, %get3A_539, %get3A_540] {strides = array<i32>} : memref<4x208x64xf32, #tpu.memory_space<vmem>>, vector<1x1x16xf32>,
        %get3A_542 = vector.shape_cast %get3A_541 : vector<1x1x16xf32> to vector<16xf32>
        %add3A_543 = arith.addf %add3A_513, %get3A_542 : vector<16xf32>
        %get3A_544 = arith.constant 3 : i32
        %get3A_545 = arith.index_cast %get3A_544 : i32 to index
        %get3A_546 = arith.index_cast %scan3A_529 : i32 to index
        %get3A_547 = arith.constant 32 : index
        %get3A_548 = tpu.vector_load %arg6[%get3A_545, %get3A_546, %get3A_547] {strides = array<i32>} : memref<4x208x64xf32, #tpu.memory_space<vmem>>, vector<1x1x16xf32>,
        %get3A_549 = vector.shape_cast %get3A_548 : vector<1x1x16xf32> to vector<16xf32>
        %add3A_550 = arith.addf %add3A_520, %get3A_549 : vector<16xf32>
        %get3A_551 = arith.constant 3 : i32
        %get3A_552 = arith.index_cast %get3A_551 : i32 to index
        %get3A_553 = arith.index_cast %scan3A_529 : i32 to index
        %get3A_554 = arith.constant 48 : index
        %get3A_555 = tpu.vector_load %arg6[%get3A_552, %get3A_553, %get3A_554] {strides = array<i32>} : memref<4x208x64xf32, #tpu.memory_space<vmem>>, vector<1x1x16xf32>,
        %get3A_556 = vector.shape_cast %get3A_555 : vector<1x1x16xf32> to vector<16xf32>
        %add3A_557 = arith.addf %add3A_527, %get3A_556 : vector<16xf32>
        scf.yield %add3A_536, %add3A_543, %add3A_550, %add3A_557 : vector<16xf32>, vector<16xf32>, vector<16xf32>, vector<16xf32>
      }
      %scan3A_288 = arith.constant 208 : i32
      %swap3A_289 = arith.index_cast %add3A_267 : i32 to index
      %swap3A_290 = arith.constant 0 : index
      %swap3A_291 = tpu.vector_load %arg7[%swap3A_289, %swap3A_290] {strides = array<i32>} : memref<128x64xf32, #tpu.memory_space<vmem>>, vector<1x16xf32>,
      %swap3A_292 = vector.shape_cast %swap3A_291 : vector<1x16xf32> to vector<16xf32>
      %swap3A_293 = vector.shape_cast %scan3A_287#0 : vector<16xf32> to vector<1x16xf32>
      tpu.vector_store %arg7[%swap3A_289, %swap3A_290], %swap3A_293 {strides = array<i32>} : memref<128x64xf32, #tpu.memory_space<vmem>>, vector<1x16xf32>,
      %swap3A_294 = arith.index_cast %add3A_267 : i32 to index
      %swap3A_295 = arith.constant 16 : index
      %swap3A_296 = tpu.vector_load %arg7[%swap3A_294, %swap3A_295] {strides = array<i32>} : memref<128x64xf32, #tpu.memory_space<vmem>>, vector<1x16xf32>,
      %swap3A_297 = vector.shape_cast %swap3A_296 : vector<1x16xf32> to vector<16xf32>
      %swap3A_298 = vector.shape_cast %scan3A_287#1 : vector<16xf32> to vector<1x16xf32>
      tpu.vector_store %arg7[%swap3A_294, %swap3A_295], %swap3A_298 {strides = array<i32>} : memref<128x64xf32, #tpu.memory_space<vmem>>, vector<1x16xf32>,
      %swap3A_299 = arith.index_cast %add3A_267 : i32 to index
      %swap3A_300 = arith.constant 32 : index
      %swap3A_301 = tpu.vector_load %arg7[%swap3A_299, %swap3A_300] {strides = array<i32>} : memref<128x64xf32, #tpu.memory_space<vmem>>, vector<1x16xf32>,
      %swap3A_302 = vector.shape_cast %swap3A_301 : vector<1x16xf32> to vector<16xf32>
      %swap3A_303 = vector.shape_cast %scan3A_287#2 : vector<16xf32> to vector<1x16xf32>
      tpu.vector_store %arg7[%swap3A_299, %swap3A_300], %swap3A_303 {strides = array<i32>} : memref<128x64xf32, #tpu.memory_space<vmem>>, vector<1x16xf32>,
      %swap3A_304 = arith.index_cast %add3A_267 : i32 to index
      %swap3A_305 = arith.constant 48 : index
      %swap3A_306 = tpu.vector_load %arg7[%swap3A_304, %swap3A_305] {strides = array<i32>} : memref<128x64xf32, #tpu.memory_space<vmem>>, vector<1x16xf32>,
      %swap3A_307 = vector.shape_cast %swap3A_306 : vector<1x16xf32> to vector<16xf32>
      %swap3A_308 = vector.shape_cast %scan3A_287#3 : vector<16xf32> to vector<1x16xf32>
      tpu.vector_store %arg7[%swap3A_304, %swap3A_305], %swap3A_308 {strides = array<i32>} : memref<128x64xf32, #tpu.memory_space<vmem>>, vector<1x16xf32>,
      %add3A_309 = arith.constant 4 : i32
      %add3A_310 = arith.addi %add3A_267, %add3A_309 : i32
      %lt3A_311 = arith.constant 128 : i32
      %lt3A_312 = arith.cmpi slt, %add3A_310, %lt3A_311 : i32
      %convert_element_type3A_313 = arith.extui %lt3A_312 : i1 to i32
      %cond3A_314 = arith.constant 0 : i32
      %cond3A_315 = arith.cmpi ne, %convert_element_type3A_313, %cond3A_314 : i32
      scf.if %cond3A_315 {
        %dma_start3A_316 = arith.constant 0 : i32
        %dma_start3A_317 = arith.constant 3 : i32
        %dma_start3A_318 = arith.constant 0 : i32
        %dma_start3A_319 = arith.constant 0 : i32
        %dma_start3A_320 = tpu.memref_slice %arg6[%dma_start3A_317, %dma_start3A_318, %dma_start3A_319] : memref<4x208x64xf32, #tpu.memory_space<vmem>> -> memref<1x104x64xf32, #tpu.memory_space<vmem>>
        %dma_start3A_321 = tpu.memref_squeeze %dma_start3A_320 : memref<1x104x64xf32, #tpu.memory_space<vmem>> -> memref<104x64xf32, #tpu.memory_space<vmem>>
        %dma_start3A_322 = arith.constant 0 : i32
        %dma_start3A_323 = tpu.memref_slice %arg5[%add3A_310, %dma_start3A_316, %dma_start3A_322] : memref<128x2x104xi32, #tpu.memory_space<vmem>> -> memref<1x1x104xi32, #tpu.memory_space<vmem>>
        %dma_start3A_324 = tpu.memref_squeeze %dma_start3A_323 : memref<1x1x104xi32, #tpu.memory_space<vmem>> -> memref<104xi32, #tpu.memory_space<vmem>>
        %dma_start3A_325 = arith.constant 0 : i32
        %dma_start3A_326 = arith.constant 0 : i32
        %dma_start3A_327 = tpu.memref_slice %arg3[%dma_start3A_325, %dma_start3A_326] : memref<1000000x64xf32, #tpu.memory_space<hbm>> -> memref<1000000x64xf32, #tpu.memory_space<hbm>>
        tpu.enqueue_indirect_dma source(%dma_start3A_327 : memref<1000000x64xf32, #tpu.memory_space<hbm>>) target(%dma_start3A_321 : memref<104x64xf32, #tpu.memory_space<vmem>>) offsets(%dma_start3A_324 : memref<104xi32, #tpu.memory_space<vmem>>) semaphore(%arg11 : memref<!tpu.dma_semaphore, #tpu.memory_space<semaphore_mem>>)
        %dma_start3A_328 = arith.constant 1 : i32
        %dma_start3A_329 = arith.constant 3 : i32
        %dma_start3A_330 = arith.constant 104 : i32
        %dma_start3A_331 = arith.constant 0 : i32
        %dma_start3A_332 = tpu.memref_slice %arg6[%dma_start3A_329, %dma_start3A_330, %dma_start3A_331] : memref<4x208x64xf32, #tpu.memory_space<vmem>> -> memref<1x104x64xf32, #tpu.memory_space<vmem>>
        %dma_start3A_333 = tpu.memref_squeeze %dma_start3A_332 : memref<1x104x64xf32, #tpu.memory_space<vmem>> -> memref<104x64xf32, #tpu.memory_space<vmem>>
        %dma_start3A_334 = arith.constant 0 : i32
        %dma_start3A_335 = tpu.memref_slice %arg5[%add3A_310, %dma_start3A_328, %dma_start3A_334] : memref<128x2x104xi32, #tpu.memory_space<vmem>> -> memref<1x1x104xi32, #tpu.memory_space<vmem>>
        %dma_start3A_336 = tpu.memref_squeeze %dma_start3A_335 : memref<1x1x104xi32, #tpu.memory_space<vmem>> -> memref<104xi32, #tpu.memory_space<vmem>>
        %dma_start3A_337 = arith.constant 0 : i32
        %dma_start3A_338 = arith.constant 0 : i32
        %dma_start3A_339 = tpu.memref_slice %arg3[%dma_start3A_337, %dma_start3A_338] : memref<1000000x64xf32, #tpu.memory_space<hbm>> -> memref<1000000x64xf32, #tpu.memory_space<hbm>>
        tpu.enqueue_indirect_dma source(%dma_start3A_339 : memref<1000000x64xf32, #tpu.memory_space<hbm>>) target(%dma_start3A_333 : memref<104x64xf32, #tpu.memory_space<vmem>>) offsets(%dma_start3A_336 : memref<104xi32, #tpu.memory_space<vmem>>) semaphore(%arg11 : memref<!tpu.dma_semaphore, #tpu.memory_space<semaphore_mem>>)
      } else {
      }
    }
    %scan3A_111 = arith.constant 32 : i32
    "tpu.region"() ({
      %run_scoped3A = tpu.sem_alloc : memref<!tpu.dma_semaphore, #tpu.memory_space<semaphore_mem>>
      %dma_start3A_112 = arith.constant 0 : i32
      %dma_start3A_113 = tpu.memref_slice %arg4[%mul3A_2, %dma_start3A_112] : memref<4096x64xf32, #tpu.memory_space<hbm>> -> memref<128x64xf32, #tpu.memory_space<hbm>>
      %dma_start3A_114 = arith.constant 0 : i32
      %dma_start3A_115 = tpu.memref_slice %arg4[%mul3A_2, %dma_start3A_114] : memref<4096x64xf32, #tpu.memory_space<hbm>> -> memref<128x64xf32, #tpu.memory_space<hbm>>
      tpu.enqueue_dma source(%arg7 : memref<128x64xf32, #tpu.memory_space<vmem>>) target(%dma_start3A_115 : memref<128x64xf32, #tpu.memory_space<hbm>>) target_semaphore(%run_scoped3A : memref<!tpu.dma_semaphore, #tpu.memory_space<semaphore_mem>>)
      %dma_wait3A = arith.constant 0 : i32
      %dma_wait3A_116 = tpu.memref_slice %arg4[%mul3A_2, %dma_wait3A] : memref<4096x64xf32, #tpu.memory_space<hbm>> -> memref<128x64xf32, #tpu.memory_space<hbm>>
      %dma_wait3A_117 = arith.constant 0 : i32
      %dma_wait3A_118 = tpu.memref_slice %arg4[%mul3A_2, %dma_wait3A_117] : memref<4096x64xf32, #tpu.memory_space<hbm>> -> memref<128x64xf32, #tpu.memory_space<hbm>>
      tpu.wait_dma2 semaphore(%run_scoped3A : memref<!tpu.dma_semaphore, #tpu.memory_space<semaphore_mem>>) src(%arg7 : memref<128x64xf32, #tpu.memory_space<vmem>>) dst(%dma_wait3A_118 : memref<128x64xf32, #tpu.memory_space<hbm>>)
      tpu.yield
    }) : () -> ()
    return
  }
}

module attributes {stable_mosaic.version = 14 : i64} {
  func.func @body(%arg0: i32, %arg1: memref<1024x200xi32, #tpu.memory_space<vmem>>, %arg2: memref<1024x64xf32, #tpu.memory_space<vmem>>, %arg3: memref<1x64xf32, #tpu.memory_space<vmem>>, %arg4: memref<64x128xf32, #tpu.memory_space<vmem>>, %arg5: memref<1x128xf32, #tpu.memory_space<vmem>>, %arg6: memref<128x64xf32, #tpu.memory_space<vmem>>, %arg7: memref<1x64xf32, #tpu.memory_space<vmem>>, %arg8: memref<1024x64xf32, #tpu.memory_space<vmem>>) attributes {dimension_semantics = [#tpu.dimension_semantics<arbitrary>], iteration_bounds = array<i64: 4>, scalar_prefetch = 0 : i64, scratch_operands = 0 : i64, tpu.core_type = #tpu.core_type<tc>, window_params = [{transform_indices = @transform_0, window_bounds = array<i64: 1024, 200>}, {transform_indices = @transform_1, window_bounds = array<i64: 1024, 64>}, {pipeline_mode = #tpu.pipeline_mode<synchronous>, transform_indices = @transform_2, window_bounds = array<i64: 1, 64>}, {pipeline_mode = #tpu.pipeline_mode<synchronous>, transform_indices = @transform_3, window_bounds = array<i64: 64, 128>}, {pipeline_mode = #tpu.pipeline_mode<synchronous>, transform_indices = @transform_4, window_bounds = array<i64: 1, 128>}, {pipeline_mode = #tpu.pipeline_mode<synchronous>, transform_indices = @transform_5, window_bounds = array<i64: 128, 64>}, {pipeline_mode = #tpu.pipeline_mode<synchronous>, transform_indices = @transform_6, window_bounds = array<i64: 1, 64>}, {transform_indices = @transform_7, window_bounds = array<i64: 1024, 64>}]} {
    %get3A = arith.constant 0 : index
    %get3A_0 = arith.constant 0 : index
    %get3A_1 = vector.load %arg1[%get3A, %get3A_0] : memref<1024x200xi32, #tpu.memory_space<vmem>>, vector<1024x200xi32>
    %eq3A = arith.constant 0 : i32
    %eq3A_2 = vector.broadcast %eq3A : i32 to vector<1024x200xi32>
    %eq3A_3 = arith.cmpi eq, %get3A_1, %eq3A_2 : vector<1024x200xi32>
    %convert_element_type3A = arith.extui %eq3A_3 : vector<1024x200xi1> to vector<1024x200xi32>
    %convert_element_type3A_4 = arith.sitofp %convert_element_type3A : vector<1024x200xi32> to vector<1024x200xf32>
    %reduce_sum3A = arith.constant dense<0.000000e+00> : vector<1024xf32>
    %reduce_sum3A_5 = vector.multi_reduction <add>, %convert_element_type3A_4, %reduce_sum3A [1] : vector<1024x200xf32> to vector<1024xf32>
    %broadcast_in_dim3A = vector.shape_cast %reduce_sum3A_5 : vector<1024xf32> to vector<1024x1xf32>
    %get3A_6 = arith.constant 0 : index
    %get3A_7 = arith.constant 0 : index
    %get3A_8 = vector.load %arg2[%get3A_6, %get3A_7] : memref<1024x64xf32, #tpu.memory_space<vmem>>, vector<1024x64xf32>
    %add3A = arith.constant 8.000000e+00 : f32
    %add3A_9 = vector.broadcast %add3A : f32 to vector<1024x1xf32>
    %add3A_10 = arith.addf %broadcast_in_dim3A, %add3A_9 : vector<1024x1xf32>
    %get3A_11 = arith.constant 0 : index
    %get3A_12 = arith.constant 0 : index
    %get3A_13 = vector.load %arg3[%get3A_11, %get3A_12] : memref<1x64xf32, #tpu.memory_space<vmem>>, vector<1x64xf32>
    %mul3A = vector.broadcast %add3A_10 : vector<1024x1xf32> to vector<1024x64xf32>
    %mul3A_14 = vector.broadcast %get3A_13 : vector<1x64xf32> to vector<1024x64xf32>
    %mul3A_15 = arith.mulf %mul3A, %mul3A_14 : vector<1024x64xf32>
    %sub3A = arith.subf %get3A_8, %mul3A_15 : vector<1024x64xf32>
    %get3A_16 = arith.constant 0 : index
    %get3A_17 = arith.constant 0 : index
    %get3A_18 = vector.load %arg4[%get3A_16, %get3A_17] : memref<64x128xf32, #tpu.memory_space<vmem>>, vector<64x128xf32>
    %dot_general3A = arith.constant dense<0.000000e+00> : vector<1024x128xf32>
    %dot_general3A_19 = tpu.matmul %sub3A, %get3A_18, %dot_general3A {dimension_numbers = #tpu.dot_dimension_numbers<[1], [0], [0], [1], [0, 0, 1, 1], [], []>, transpose_lhs_hint = false} : vector<1024x64xf32>, vector<64x128xf32>, vector<1024x128xf32> -> vector<1024x128xf32>
    %get3A_20 = arith.constant 0 : index
    %get3A_21 = arith.constant 0 : index
    %get3A_22 = vector.load %arg5[%get3A_20, %get3A_21] : memref<1x128xf32, #tpu.memory_space<vmem>>, vector<1x128xf32>
    %add3A_23 = vector.broadcast %get3A_22 : vector<1x128xf32> to vector<1024x128xf32>
    %add3A_24 = arith.addf %dot_general3A_19, %add3A_23 : vector<1024x128xf32>
    %tanh3A = math.tanh %add3A_24 : vector<1024x128xf32>
    %get3A_25 = arith.constant 0 : index
    %get3A_26 = arith.constant 0 : index
    %get3A_27 = vector.load %arg6[%get3A_25, %get3A_26] : memref<128x64xf32, #tpu.memory_space<vmem>>, vector<128x64xf32>
    %dot_general3A_28 = arith.constant dense<0.000000e+00> : vector<1024x64xf32>
    %dot_general3A_29 = tpu.matmul %tanh3A, %get3A_27, %dot_general3A_28 {dimension_numbers = #tpu.dot_dimension_numbers<[1], [0], [0], [1], [0, 0, 1, 1], [], []>, transpose_lhs_hint = false} : vector<1024x128xf32>, vector<128x64xf32>, vector<1024x64xf32> -> vector<1024x64xf32>
    %get3A_30 = arith.constant 0 : index
    %get3A_31 = arith.constant 0 : index
    %get3A_32 = vector.load %arg7[%get3A_30, %get3A_31] : memref<1x64xf32, #tpu.memory_space<vmem>>, vector<1x64xf32>
    %add3A_33 = vector.broadcast %get3A_32 : vector<1x64xf32> to vector<1024x64xf32>
    %add3A_34 = arith.addf %dot_general3A_29, %add3A_33 : vector<1024x64xf32>
    %swap3A = arith.constant 0 : index
    %swap3A_35 = arith.constant 0 : index
    %swap3A_36 = vector.load %arg8[%swap3A, %swap3A_35] : memref<1024x64xf32, #tpu.memory_space<vmem>>, vector<1024x64xf32>
    tpu.vector_store %arg8[%swap3A, %swap3A_35], %add3A_34 {strides = array<i32>} : memref<1024x64xf32, #tpu.memory_space<vmem>>, vector<1024x64xf32>,
    return
  }
  func.func @transform_0(%arg0: i32) -> (i32, i32) {
    %c0_i32 = arith.constant 0 : i32
    %c0_i32_0 = arith.constant 0 : i32
    return %arg0, %c0_i32 : i32, i32
  }
  func.func @transform_1(%arg0: i32) -> (i32, i32) {
    %c0_i32 = arith.constant 0 : i32
    %c0_i32_0 = arith.constant 0 : i32
    return %arg0, %c0_i32 : i32, i32
  }
  func.func @transform_2(%arg0: i32) -> (i32, i32) {
    %c0_i32 = arith.constant 0 : i32
    %c0_i32_0 = arith.constant 0 : i32
    %c0_i32_1 = arith.constant 0 : i32
    return %c0_i32, %c0_i32_0 : i32, i32
  }
  func.func @transform_3(%arg0: i32) -> (i32, i32) {
    %c0_i32 = arith.constant 0 : i32
    %c0_i32_0 = arith.constant 0 : i32
    %c0_i32_1 = arith.constant 0 : i32
    return %c0_i32, %c0_i32_0 : i32, i32
  }
  func.func @transform_4(%arg0: i32) -> (i32, i32) {
    %c0_i32 = arith.constant 0 : i32
    %c0_i32_0 = arith.constant 0 : i32
    %c0_i32_1 = arith.constant 0 : i32
    return %c0_i32, %c0_i32_0 : i32, i32
  }
  func.func @transform_5(%arg0: i32) -> (i32, i32) {
    %c0_i32 = arith.constant 0 : i32
    %c0_i32_0 = arith.constant 0 : i32
    %c0_i32_1 = arith.constant 0 : i32
    return %c0_i32, %c0_i32_0 : i32, i32
  }
  func.func @transform_6(%arg0: i32) -> (i32, i32) {
    %c0_i32 = arith.constant 0 : i32
    %c0_i32_0 = arith.constant 0 : i32
    %c0_i32_1 = arith.constant 0 : i32
    return %c0_i32, %c0_i32_0 : i32, i32
  }
  func.func @transform_7(%arg0: i32) -> (i32, i32) {
    %c0_i32 = arith.constant 0 : i32
    %c0_i32_0 = arith.constant 0 : i32
    return %arg0, %c0_i32 : i32, i32
  }
}

</mosaic_0001>

<sc_bundles>
// kernel: kernel.4.cloned.1.call-start
scs
__scs_entry_jumppad:
0x0: {  	(pc) =	sbr.rel $0x88, $3  }
0x1: {  	(tag) =	ssettag $0x0;
	lr =	simm.s32 $0x1  }
0x2: {  	[smem:$0x3F9B] =	sst lr;
	_ =	strace $0xD0000000  }
0x3: {  	_ = 	snop  }
0x4: {  	_ = 	snop  }
0x5: {  	_ = 	snop  }
0x6: {  	_ = 	snop  }
0x7: {  	_ = 	snop  }
__scs_overlays_trampoline_lowered:
0x8: {  	[smem:$0x3FAA] =	sst s0  }
0x9: {  	[smem:$0x3FAB] =	sst s1  }
0xa: {  	[smem:$0x3FAC] =	sst s2  }
0xb: {  	[smem:$0x3FAD] =	sst s3  }
0xc: {  	[smem:$0x3FAE] =	sst s4  }
0xd: {  	[smem:$0x3FAF] =	sst s5  }
0xe: {  	[smem:$0x3FB0] =	sst s6  }
0xf: {  	[smem:$0x3FB1] =	sst s7  }
0x10: {  	[smem:$0x3FB2] =	sst s8  }
0x11: {  	[smem:$0x3FB3] =	sst s9;
	s0 =	simm.s32 @!p0 $0x0  }
0x12: {  	s1 =	sld [smem:$0x3F99];
	s0 =	simm.s32 @p0 $0x1  }
0x13: {  	[smem:$0x3FB4] =	sst s0;
	s0 =	simm.s32 @!p1 $0x0  }
0x14: {  	s2 =	sld [smem:$0x3F98];
	s0 =	simm.s32 @p1 $0x1  }
0x15: {  	[smem:$0x3FB5] =	sst s0;
	s0 =	simm.s32 @!p2 $0x0  }
0x16: {  	s3 =	sld [smem:$0x3FDB];
	s0 =	simm.s32 @p2 $0x1  }
0x17: {  	s4 =	simm.s32 $0x1BF5;
	[smem:$0x3FB7] =	sst s0  }
0x18: {  	s0 =	sld [smem:$0x3F9A];
	_ =	swait.ge [sflag:s4], $0x0  }
0x19: {  	s7 =	sld [smem:$0x3F9B]  }
0x1a: {  	s8 =	sadd.s32 $0xFFFFE003, lr  }
0x1b: {  	s9 =	sadd.s32 $0xFFFFFEF7, lr;
	s5 =	simm.s32 $0xFFFFFFFF;
	p2 =	slt.u32 s8, $0xFFFFF086  }
0x1c: {  	p1 =	slt.u32 s9, $0xF7A;
	s5 =	simm.s32 @!p2 $0x0  }
0x1d: {  	s5 =	simm.s32 @p1 $0x1;
	p0 =	seq.s32 s7, s2  }
0x1e: {  	s7 =	smul.u32 @!p0 $0xF7A, s2;
	p2 =	seq.s32 @!p0 s5, $0x0  }
0x1f: {  	s9 =	smul.u32 $0xF7A, s1;
	s8 =	simm.s32 @!p0 $0x1BF5;
	p2 =	por !p2, p0  }
0x20: {  	[sflag:s8] =	ssyncset.s32 @!p0 $0xFFFFF086;
	s6 =	sadd.s32 @!p0 s3, s7;
	s7 =	simm.s32 @!p0 $0x108  }
0x21: {  	s3 =	sadd.s32 s3, s9;
	s6 =	sadd.s32 @!p0 $0x88, s6;
	s7 =	simm.s32 @p2 $0x1082  }
0x22: {  	[simem:s7], [sflag:s8] =	dma.local @!p0 [hbm:s6], $0xF7A  }
0x23: {  	s9 =	sor.u32 $0xD0000000, s2;
	s6 =	simm.s32 $0x108;
	_ =	swait.ge @!p0 [sflag:s8], $0x0  }
0x24: {  	s3 =	sadd.s32 $0x88, s3;
	s6 =	simm.s32 @!p1 $0x1082;
	[sflag:s4] =	ssyncset.s32 $0xFFFFF086  }
0x25: {  	[simem:s6], [sflag:s4] =	dma.local [hbm:s3], $0xF7A  }
0x26: {  	[smem:$0x3F9B] =	sst s1;
	(tag) =	ssettag s2;
	_ =	strace s9  }
0x27: {  	s1 =	sld [smem:$0x3FAB]  }
0x28: {  	s2 =	sld [smem:$0x3FAC]  }
0x29: {  	s4 =	sld [smem:$0x3FAE]  }
0x2a: {  	p0 =	seq.s32 s5, $0x0;
	s5 =	sld [smem:$0x3FAF]  }
0x2b: {  	s6 =	sld [smem:$0x3FB0]  }
0x2c: {  	s7 =	sld [smem:$0x3FB1]  }
0x2d: {  	s3 =	simm.s32 $0x108;
	s8 =	sld [smem:$0x3FB2]  }
0x2e: {  	s3 =	simm.s32 @!p0 $0x1082;
	s9 =	sld [smem:$0x3FB3]  }
0x2f: {  	lr =	sadd.s32 s0, s3;
	s0 =	sld [smem:$0x3FAA]  }
0x30: {  	s3 =	sld [smem:$0x3FAD]  }
0x31: {  	[smem:$0x3FB6] =	sst s10  }
0x32: {  	s10 =	sld [smem:$0x3FB4];
	_ =	sdelay $0x3  }
0x33: {  	p0 =	seq.s32 s10, $0x1;
	s10 =	sld [smem:$0x3FB6];
	_ =	sdelay $0x3  }
0x34: {  	[smem:$0x3FB6] =	sst s10  }
0x35: {  	s10 =	sld [smem:$0x3FB5];
	_ =	sdelay $0x3  }
0x36: {  	p1 =	seq.s32 s10, $0x1;
	s10 =	sld [smem:$0x3FB6];
	_ =	sdelay $0x3  }
0x37: {  	[smem:$0x3FB6] =	sst s10  }
0x38: {  	s10 =	sld [smem:$0x3FB7]  }
0x39: {  	_ = 	snop;
	(pc) =	sbr.ind lr, $3  }
0x3a: {  	_ = 	snop  }
0x3b: {  	_ = 	snop  }
0x3c: {  	p2 =	seq.s32 s10, $0x1;
	s10 =	sld [smem:$0x3FB6]  }
0x3d: {  	_ =	shalt  }
0x3e: {  	_ =	shalt  }
0x3f: {  	_ =	shalt  }
0x40: {  	_ =	shalt  }
0x41: {  	_ =	shalt  }
0x42: {  	_ =	shalt  }
0x43: {  	_ =	shalt  }
0x44: {  	_ =	shalt  }
0x45: {  	_ =	shalt  }
0x46: {  	_ =	shalt  }
0x47: {  	_ =	shalt  }
0x48: {  	_ =	shalt  }
0x49: {  	_ =	shalt  }
0x4a: {  	_ =	shalt  }
0x4b: {  	_ =	shalt  }
0x4c: {  	_ =	shalt  }
0x4d: {  	_ =	shalt  }
0x4e: {  	_ =	shalt  }
0x4f: {  	_ =	shalt  }
0x50: {  	_ =	shalt  }
0x51: {  	_ =	shalt  }
0x52: {  	_ =	shalt  }
0x53: {  	_ =	shalt  }
0x54: {  	_ =	shalt  }
0x55: {  	_ =	shalt  }
0x56: {  	_ =	shalt  }
0x57: {  	_ =	shalt  }
0x58: {  	_ =	shalt  }
0x59: {  	_ =	shalt  }
0x5a: {  	_ =	shalt  }
0x5b: {  	_ =	shalt  }
0x5c: {  	_ =	shalt  }
0x5d: {  	_ =	shalt  }
0x5e: {  	_ =	shalt  }
0x5f: {  	_ =	shalt  }
0x60: {  	_ =	shalt  }
0x61: {  	_ =	shalt  }
0x62: {  	_ =	shalt  }
0x63: {  	_ =	shalt  }
0x64: {  	_ =	shalt  }
0x65: {  	_ =	shalt  }
0x66: {  	_ =	shalt  }
0x67: {  	_ =	shalt  }
0x68: {  	_ =	shalt  }
0x69: {  	_ =	shalt  }
0x6a: {  	_ =	shalt  }
0x6b: {  	_ =	shalt  }
0x6c: {  	_ =	shalt  }
0x6d: {  	_ =	shalt  }
0x6e: {  	_ =	shalt  }
0x6f: {  	_ =	shalt  }
0x70: {  	_ =	shalt  }
0x71: {  	_ =	shalt  }
0x72: {  	_ =	shalt  }
0x73: {  	_ =	shalt  }
0x74: {  	_ =	shalt  }
0x75: {  	_ =	shalt  }
0x76: {  	_ =	shalt  }
0x77: {  	_ =	shalt  }
0x78: {  	_ =	shalt  }
0x79: {  	_ =	shalt  }
0x7a: {  	_ =	shalt  }
0x7b: {  	_ =	shalt  }
0x7c: {  	_ =	shalt  }
0x7d: {  	_ =	shalt  }
0x7e: {  	_ =	shalt  }
0x7f: {  	_ =	shalt  }
0x80: {  	_ =	shalt  }
0x81: {  	_ =	shalt  }
0x82: {  	_ =	shalt  }
0x83: {  	_ =	shalt  }
0x84: {  	_ =	shalt  }
0x85: {  	_ =	shalt  }
0x86: {  	_ =	shalt  }
0x87: {  	_ =	shalt  }
.Lfunc_end0:
.L_simem_size_0:
called_computation_lowered:
.L_overlay_start_0:
0x88: {  	s2 =	sld [smem:$0x3FD9]  }
0x89: {  	s3 =	sld [smem:$0x3FFE];
	_ =	sdelay $0x1  }
0x8a: {  	s1 =	srdreg.scid  }
0x8b: {  	s0 =	sand.u32 $0x1, s1  }
0x8c: {  	s17 =	sshll.u32 s0, $0xA;
	s2 =	sadd.s32 s3, s2  }
0x8d: {  	s2 =	sadd.s32 s2, s17  }
0x8e: {  	[smem:$0x3FC2] =	sst s2  }
0x8f: {  	_ = 	snop  }
0x90: {  	s2 =	sld [smem:$0x3FD0];
	(tm) =	ssettm $0x1  }
0x91: {  	s18 =	sld [smem:$0x3FFB];
	_ =	sdelay $0x3  }
0x92: {  	_ =	strace s18  }
0x93: {  	s3 =	sld [smem:$0x3FFC];
	_ =	sdelay $0x3  }
0x94: {  	_ =	strace s3  }
0x95: {  	s3 =	sld [smem:$0x3FFD];
	_ =	sdelay $0x3  }
0x96: {  	_ =	strace s3  }
0x97: {  	_ =	strace $0x8FFFFFFF  }
0x98: {  	s19 =	sld [smem:$0x3FDB];
	_ =	sdelay $0x1  }
0x99: {  	s4 =	simm.s32 $_scs_section_size  }
0x9a: {  	s5 =	simm.s32 $_size__tile_overlayer_lowered;
	s6 =	simm.s32 $_tile_overlayer_lowered  }
0x9b: {  	s22 =	simm.s32 $0x1BFF;
	s21 =	sshll.u32 s6, $0x1;
	s3 =	sadd.s32 s4, s19  }
0x9c: {  	s7 =	simm.s32 $0x0;
	s20 =	sshll.u32 s5, $0x1;
	s5 =	sadd.s32 s21, s3  }
0x9d: {  	[timem:s7], [sflag:s22] =	dma.local [hbm:s5], s20  }
0x9e: {  	_ =	swait.ge [sflag:s22], s20  }
0x9f: {  	s4 =	ssub.s32 $0x0, s20;
	[sflag:s22] =	ssyncset.done $0x0  }
0xa0: {  	[sflag:s22] =	ssyncadd.s32 s4;
	_ =	sdelay $0x1  }
0xa1: {  	s23 =	simm.s32 $0x1B8B  }
0xa2: {  	_ =	swait.ge [sflag:s23], $0x1  }
0xa3: {  	[sflag:s23] =	ssyncset.done $0x0  }
0xa4: {  	s25 =	simm.s32 $0x1B8E;
	s24 =	sld [smem:$0x3FFE];
	[sflag:s23] =	ssyncadd.s32 $0xFFFFFFFF  }
0xa5: {  	s26 =	simm.s32 $execute0_lowered;
	[smem:$0x3FD2] =	sst s25  }
0xa6: {  	s5 =	sshll.u32 s26, $0x1;
	_ =	strace $0x80000046;
	[dreg:$0x1] =	wrdreg $0xFFFFFFFF  }
0xa7: {  	s28 =	simm.s32 $_size_execute0_lowered;
	s3 =	sadd.s32 s3, s5;
	[dreg:$0x0] =	wrdreg $0x0  }
0xa8: {  	s5 =	sshll.u32 s28, $0x1;
	[dreg:$0x2] =	wrdreg s3  }
0xa9: {  	[dreg:$0x3] =	wrdreg s5  }
0xaa: {  	[dreg:$0x4] =	wrdreg $0xC0  }
0xab: {  	_ =	task [dreg:s7], $0x5FFFF  }
0xac: {  	[dreg:$0x1] =	wrdreg $0xFFFFFFFF  }
0xad: {  	[dreg:$0x0] =	wrdreg $0x60  }
0xae: {  	[dreg:$0x2] =	wrdreg s24  }
0xaf: {  	[dreg:$0x3] =	wrdreg s2  }
0xb0: {  	[dreg:$0x4] =	wrdreg $0x9  }
0xb1: {  	_ =	task.clear_ibuf [dreg:s7], $0x5FFFF;
	_ =	strace $0x90000046  }
0xb2: {  	s29 =	simm.s32 $0x9;
	_ =	strace $0x80000048  }
0xb3: {  	_ =	swait.ge [sflag:s29], $0x1  }
0xb4: {  	[sflag:s29] =	ssyncadd.s32 $0xFFFFFFFF  }
0xb5: {  	_ =	strace $0x90000048  }
0xb6: {  	_ =	sfence  }
0xb7: {  	s30 =	sld [smem:$0x0];
	_ =	sdelay $0x2  }
0xb8: {  	s31 =	sshll.u32 s1, $0xD;
	s1 =	sshrl.u32 s1, $0x2  }
0xb9: {  	s3 =	sand.u32 $0x4000, s31;
	s1 =	sadd.s32 s1, s30  }
0xba: {  	s0 =	sor.u32 s3, s0;
	s1 =	sshll.u32 s1, $0x11  }
0xbb: {  	s0 =	sor.u32 s1, s0  }
0xbc: {  	s0 =	sadd.s32 $0x8F2B, s0  }
0xbd: {  	[sflag:s0] =	ssyncadd.remote.s32 $0x1  }
0xbe: {  	_ =	sfence.sel $0xFFFF  }
0xbf: {  	[dreg:$0x0] =	wrdreg $0xFFFFFFFF;
	(pc) =	sbr.abs _section_cstart, $3  }
0xc0: {  	[dreg:$0x1] =	wrdreg $0xFFFFFFFF  }
0xc1: {  	_ =	task.clear_ibuf [dreg:s7], $0x2FFFF;
	_ =	strace $0x9FFFFFFF  }
0xc2: {  	(tm) =	ssettm $0x7FFFFFFF  }
0xc3: {  	_ =	shalt  }
tec
execute0_lowered:
.L_overlay_start_1:
0x0: {  	(tag) =	ssettag $0x1  }
0x1: {  	s0 =	srdreg.scid  }
0x2: {  	s1 =	rddreg [dreg:$0x0];
	s2 =	stileid.u32  }
0x3: {  	s5 =	rddreg [dreg:$0x1];
	s7 =	simm.s32 $0x5;
	s8 =	simm.s32 $0x68  }
0x4: {  	s11 =	simm.s32 $0xD0;
	s12 =	simm.s32 $0x9C00;
	s13 =	simm.s32 $0x138  }
0x5: {  	s14 =	simm.s32 $0xB600;
	s15 =	simm.s32 $0x1A0;
	s16 =	simm.s32 $0xD000  }
0x6: {  	s17 =	simm.s32 $0x208;
	s18 =	simm.s32 $0xEA00;
	s19 =	simm.s32 $0x270  }
0x7: {  	s20 =	simm.s32 $0x10400;
	s21 =	simm.s32 $0x2D8;
	s22 =	simm.s32 $0x11E00  }
0x8: {  	s23 =	simm.s32 $0x1;
	s24 =	simm.s32 $0x2;
	s25 =	simm.s32 $0x3  }
0x9: {  	s28 =	simm.s32 $0x13800;
	s29 =	simm.s32 $0x0;
	s0 =	sand.u32 $0x1, s0  }
0xa: {  	s3 =	sshll.u32 s2, $0x8;
	s2 =	simm.s32 $0x0;
	s4 =	sshll.u32 s0, $0x7  }
.Ltmp0:
0xb: {  	s0 =	ssub.s32 $0x2, s0;
	s6 =	sor.u32 s4, s3;
	(pc) =	sbr.rel .LBB2_1-.Ltmp0, $4  }
0xc: {  	[smem:$0x7FF] =	sst s2;
	s30 =	sshrl.u32 s0, $0x1;
	s3 =	smul.u32 $0x1A, s6  }
0xd: {  	_ =	strace $0x80000047;
	s0 =	ssub.s32 s0, s30;
	s31 =	sshll.u32 s6, $0x3  }
0xe: {  	s5 =	sadd.s32 s5, s31;
	s6 =	smax.u32 s0, $0x1;
	s26 =	sadd.s32 s3, s1  }
0xf: {  	s3 =	sadd.s32 $0xF43400, s1;
	s4 =	sadd.s32 $0x16E4600, s26;
	s26 =	simm.s32 $0x4  }
.LBB2_12:
0x10: {  	s29 =	sadd.s32 $0x1, s29  }
0x11: {  	p0 =	sne.s32 s29, s6  }
.Ltmp1:
0x12: {  	_ = 	snop;
	(pc) =	sbr.rel @!p0 .LBB2_13-.Ltmp1, $4  }
0x13: {  	[hbm4b:s5+s2] =	stream.linear.scatter [tilespmem:s28], [sflag:$0x5], $0x2000, $0x38;
	[tilespmem:$0x15800] =	vst v63  }
0x14: {  	_ =	swait.ge [sflag:s7], $0x2000  }
0x15: {  	[sflag:s7] =	ssyncset.done $0x0  }
0x16: {  	[sflag:s7] =	ssyncadd.s32 $0xFFFFE000  }
.LBB2_1:
0x17: {  	[tilespmem:s2], [sflag:$0x5] =	stream.linear.gather [hbm4b:s4+s2], $0x6800, $0x38;
	[tilespmem:$0x15800] =	vst v63  }
0x18: {  	_ =	swait.ge [sflag:s7], $0x6800  }
0x19: {  	[sflag:s7] =	ssyncset.done $0x0  }
0x1a: {  	s0 =	simm.s32 $0x6800;
	[sflag:s7] =	ssyncadd.s32 $0xFFFF9800  }
0x1b: {  	[tilespmem:s0], [sflag:$0x1] =	stream.indirect.gather [hbm4b:s3+s8], $0x40, s2, s8, $0xb8;
	[tilespmem:$0x15800] =	vst v63  }
0x1c: {  	s31 =	simm.s32 $0x8200  }
0x1d: {  	[tilespmem:s31], [sflag:$0x1] =	stream.indirect.gather [hbm4b:s3+s8], $0x40, s8, s8, $0xb8;
	[tilespmem:$0x15800] =	vst v63  }
0x1e: {  	_ = 	snop  }
0x1f: {  	[tilespmem:s12], [sflag:$0x2] =	stream.indirect.gather [hbm4b:s3+s8], $0x40, s11, s8, $0xb8;
	[tilespmem:$0x15800] =	vst v63  }
0x20: {  	_ = 	snop  }
0x21: {  	[tilespmem:s14], [sflag:$0x2] =	stream.indirect.gather [hbm4b:s3+s8], $0x40, s13, s8, $0xb8;
	[tilespmem:$0x15800] =	vst v63  }
0x22: {  	_ = 	snop  }
0x23: {  	[tilespmem:s16], [sflag:$0x3] =	stream.indirect.gather [hbm4b:s3+s8], $0x40, s15, s8, $0xb8;
	[tilespmem:$0x15800] =	vst v63  }
0x24: {  	_ = 	snop  }
0x25: {  	[tilespmem:s18], [sflag:$0x3] =	stream.indirect.gather [hbm4b:s3+s8], $0x40, s17, s8, $0xb8;
	[tilespmem:$0x15800] =	vst v63  }
0x26: {  	_ = 	snop  }
0x27: {  	[tilespmem:s20], [sflag:$0x4] =	stream.indirect.gather [hbm4b:s3+s8], $0x40, s19, s8, $0xb8;
	[tilespmem:$0x15800] =	vst v63  }
0x28: {  	s30 =	simm.s32 $0x0  }
0x29: {  	[tilespmem:s22], [sflag:$0x4] =	stream.indirect.gather [hbm4b:s3+s8], $0x40, s21, s8, $0xb8;
	[tilespmem:$0x15800] =	vst v63  }
.LBB2_2:
0x2a: {  	_ =	swait.ge [sflag:s23], $0x3400  }
0x2b: {  	[sflag:s23] =	ssyncset.done $0x0  }
0x2c: {  	s0 =	simm.s32 $0x6900;
	[sflag:s23] =	ssyncadd.s32 $0xFFFFCC00  }
0x2d: {  	v0 =	vld [tilespmem:s0+$0xC0]  }
0x2e: {  	v1 =	vld [tilespmem:s0+$0xD0]  }
0x2f: {  	v2 =	vld [tilespmem:s0+$0x80]  }
0x30: {  	v3 =	vld [tilespmem:s0+$0x90]  }
0x31: {  	v9 =	vld [tilespmem:s0+$0x40]  }
0x32: {  	v12 =	vld [tilespmem:s0+$0x50]  }
0x33: {  	v5 =	vld [tilespmem:s0+$0x0]  }
0x34: {  	v8 =	vld [tilespmem:s0+$0x10]  }
0x35: {  	v6 =	vld [tilespmem:s0+$0xFFFFFFC0]  }
0x36: {  	v7 =	vld [tilespmem:s0+$0xFFFFFFD0]  }
0x37: {  	v4 =	vld [tilespmem:s0+$0xFFFFFF80]  }
0x38: {  	v10 =	vld [tilespmem:s0+$0xFFFFFF90]  }
0x39: {  	v11 =	vld [tilespmem:s0+$0xFFFFFF40]  }
0x3a: {  	v13 =	vld [tilespmem:s0+$0xFFFFFF50]  }
0x3b: {  	v14 =	vld [tilespmem:s0+$0xFFFFFF00]  }
0x3c: {  	v15 =	vld [tilespmem:s0+$0xFFFFFF10]  }
0x3d: {  	v16 =	vld [tilespmem:s0+$0xFFFFFF20]  }
0x3e: {  	v17 =	vld [tilespmem:s0+$0xFFFFFF30]  }
0x3f: {  	v18 =	vld [tilespmem:s0+$0xFFFFFF60]  }
0x40: {  	v19 =	vld [tilespmem:s0+$0xFFFFFF70]  }
0x41: {  	v20 =	vimm.f32 $0.0e+00;
	v21 =	vld [tilespmem:s0+$0xFFFFFFA0]  }
0x42: {  	v22 =	vld [tilespmem:s0+$0xFFFFFFB0];
	v14 =	vadd.f32 v14, v20;
	v15 =	vadd.f32 v15, v20  }
0x43: {  	v59 =	vld [tilespmem:s0+$0xFFFFFFE0];
	v16 =	vadd.f32 v16, v20;
	v17 =	vadd.f32 v17, v20  }
0x44: {  	v11 =	vadd.f32 v11, v14;
	v13 =	vadd.f32 v13, v15;
	v14 =	vld [tilespmem:s0+$0xFFFFFFF0]  }
0x45: {  	v61 =	vld [tilespmem:s0+$0x20];
	v15 =	vadd.f32 v18, v16;
	v60 =	vadd.f32 v19, v17  }
0x46: {  	v11 =	vadd.f32 v4, v11;
	v10 =	vadd.f32 v10, v13;
	v13 =	vld [tilespmem:s0+$0x30]  }
0x47: {  	v15 =	vadd.f32 v21, v15;
	v16 =	vadd.f32 v22, v60;
	v4 =	vld [tilespmem:s0+$0x60]  }
0x48: {  	v11 =	vadd.f32 v6, v11;
	v10 =	vadd.f32 v7, v10;
	v7 =	vld [tilespmem:s0+$0x70]  }
0x49: {  	v15 =	vadd.f32 v59, v15;
	v6 =	vld [tilespmem:s0+$0xA0];
	v14 =	vadd.f32 v14, v16  }
0x4a: {  	v62 =	vadd.f32 v5, v11;
	v63 =	vadd.f32 v8, v10;
	v8 =	vld [tilespmem:s0+$0xB0]  }
0x4b: {  	v11 =	vadd.f32 v61, v15;
	v5 =	vld [tilespmem:s0+$0xE0];
	v10 =	vadd.f32 v13, v14  }
0x4c: {  	s1 =	simm.s32 $0x0;
	v13 =	vadd.f32 v9, v62;
	v12 =	vadd.f32 v12, v63;
	v9 =	vld [tilespmem:s0+$0xF0];
	s0 =	simm.s32 $0x6B00  }
.LBB2_3:
0x4d: {  	v14 =	vld [tilespmem:s0+$0xC0];
	v4 =	vadd.f32 v4, v11;
	v7 =	vadd.f32 v7, v10  }
0x4e: {  	v10 =	vld [tilespmem:s0+$0xD0];
	v11 =	vadd.f32 v2, v13;
	v12 =	vadd.f32 v3, v12  }
0x4f: {  	v2 =	vld [tilespmem:s0+$0x80];
	v4 =	vadd.f32 v6, v4;
	v6 =	vadd.f32 v8, v7  }
0x50: {  	v3 =	vld [tilespmem:s0+$0x90];
	v7 =	vadd.f32 v0, v11;
	v8 =	vadd.f32 v1, v12  }
0x51: {  	v12 =	vld [tilespmem:s0+$0x40];
	v4 =	vadd.f32 v5, v4;
	v5 =	vadd.f32 v9, v6  }
0x52: {  	v9 =	vld [tilespmem:s0+$0x50];
	v0 =	vmov v14  }
0x53: {  	v11 =	vld [tilespmem:s0+$0x0];
	v1 =	vmov v10  }
0x54: {  	v10 =	vld [tilespmem:s0+$0x10]  }
0x55: {  	v6 =	vld [tilespmem:s0+$0xFFFFFFC0]  }
0x56: {  	v13 =	vld [tilespmem:s0+$0xFFFFFFD0]  }
0x57: {  	v14 =	vld [tilespmem:s0+$0xFFFFFF80]  }
0x58: {  	v15 =	vld [tilespmem:s0+$0xFFFFFF90]  }
0x59: {  	v16 =	vld [tilespmem:s0+$0xFFFFFF40]  }
0x5a: {  	v17 =	vld [tilespmem:s0+$0xFFFFFF50]  }
0x5b: {  	v18 =	vld [tilespmem:s0+$0xFFFFFF00]  }
0x5c: {  	v19 =	vld [tilespmem:s0+$0xFFFFFF10]  }
0x5d: {  	v20 =	vld [tilespmem:s0+$0xFFFFFF20]  }
0x5e: {  	s1 =	sadd.s32 $0x8, s1;
	v21 =	vld [tilespmem:s0+$0xFFFFFF30]  }
0x5f: {  	p0 =	slt.u32 s1, $0xC8;
	v22 =	vld [tilespmem:s0+$0xFFFFFF60]  }
0x60: {  	v23 =	vld [tilespmem:s0+$0xFFFFFF70]  }
0x61: {  	v24 =	vld [tilespmem:s0+$0xFFFFFFA0]  }
0x62: {  	v7 =	vadd.f32 v18, v7;
	v8 =	vadd.f32 v19, v8;
	v18 =	vld [tilespmem:s0+$0xFFFFFFB0]  }
0x63: {  	v4 =	vadd.f32 v20, v4;
	v5 =	vadd.f32 v21, v5;
	v19 =	vld [tilespmem:s0+$0xFFFFFFE0]  }
0x64: {  	v7 =	vadd.f32 v16, v7;
	v8 =	vadd.f32 v17, v8;
	v16 =	vld [tilespmem:s0+$0xFFFFFFF0]  }
0x65: {  	v4 =	vadd.f32 v22, v4;
	v5 =	vadd.f32 v23, v5;
	v17 =	vld [tilespmem:s0+$0x20]  }
0x66: {  	v7 =	vadd.f32 v14, v7;
	v8 =	vadd.f32 v15, v8;
	v14 =	vld [tilespmem:s0+$0x30]  }
0x67: {  	v15 =	vadd.f32 v24, v4;
	v5 =	vadd.f32 v18, v5;
	v4 =	vld [tilespmem:s0+$0x60]  }
.Ltmp2:
0x68: {  	v18 =	vadd.f32 v6, v7;
	v8 =	vadd.f32 v13, v8;
	v7 =	vld [tilespmem:s0+$0x70];
	(pc) =	sbr.rel @p0 .LBB2_3-.Ltmp2, $4  }
0x69: {  	v13 =	vadd.f32 v19, v15;
	v5 =	vadd.f32 v16, v5;
	v6 =	vld [tilespmem:s0+$0xA0]  }
0x6a: {  	v15 =	vadd.f32 v11, v18;
	v16 =	vadd.f32 v10, v8;
	v8 =	vld [tilespmem:s0+$0xB0]  }
0x6b: {  	v11 =	vadd.f32 v17, v13;
	v10 =	vadd.f32 v14, v5;
	v5 =	vld [tilespmem:s0+$0xE0]  }
0x6c: {  	v13 =	vadd.f32 v12, v15;
	v12 =	vadd.f32 v9, v16;
	v9 =	vld [tilespmem:s0+$0xF0];
	s0 =	sadd.s32 $0x200, s0  }
0x6d: {  	_ = 	snop  }
0x6e: {  	v4 =	vadd.f32 v4, v11;
	v2 =	vadd.f32 v2, v13  }
0x6f: {  	v7 =	vadd.f32 v7, v10;
	v3 =	vadd.f32 v3, v12  }
0x70: {  	s0 =	sshll.u32 s30, $0x8;
	v4 =	vadd.f32 v6, v4;
	v0 =	vadd.f32 v0, v2  }
0x71: {  	p0 =	seq.s32 s30, $0x1F;
	s31 =	sand.u32 $0x3FFFFF00, s0;
	v2 =	vadd.f32 v8, v7;
	v1 =	vadd.f32 v1, v3  }
0x72: {  	s0 =	smul.u32 @!p0 $0xD00, s30;
	v3 =	vadd.f32 v5, v4;
	[tilespmem:s31+$0x13800] =	vst v0  }
0x73: {  	v0 =	vadd.f32 v9, v2;
	[tilespmem:s31+$0x13810] =	vst v1  }
0x74: {  	s1 =	sshra.s32 @!p0 s0, $0x2;
	[tilespmem:s31+$0x13820] =	vst v3  }
0x75: {  	s9 =	simm.s32 @!p0 $0x68;
	s10 =	simm.s32 @!p0 $0x6800;
	s0 =	sadd.s32 @!p0 $0x340, s1;
	[tilespmem:s31+$0x13830] =	vst v0  }
0x76: {  	[tilespmem:s10], [sflag:$0x1] =	stream.indirect.gather @!p0 [hbm4b:s3+s9], $0x40, s0, s9, $0xb8;
	[tilespmem:$0x15800] =	vst v63  }
0x77: {  	s0 =	sadd.s32 @!p0 $0x3A8, s1;
	s10 =	simm.s32 @!p0 $0x8200  }
0x78: {  	[tilespmem:s10], [sflag:$0x1] =	stream.indirect.gather @!p0 [hbm4b:s3+s9], $0x40, s0, s9, $0xb8;
	[tilespmem:$0x15800] =	vst v63  }
0x79: {  	_ =	swait.ge [sflag:s24], $0x3400  }
0x7a: {  	[sflag:s24] =	ssyncset.done $0x0  }
0x7b: {  	s10 =	simm.s32 $0x9DF0;
	[sflag:s24] =	ssyncadd.s32 $0xFFFFCC00  }
0x7c: {  	v0 =	vld [tilespmem:s10+$0xFFFFFFD0]  }
0x7d: {  	v1 =	vld [tilespmem:s10+$0xFFFFFFE0]  }
0x7e: {  	v2 =	vld [tilespmem:s10+$0xFFFFFF90]  }
0x7f: {  	v3 =	vld [tilespmem:s10+$0xFFFFFFA0]  }
0x80: {  	v9 =	vld [tilespmem:s10+$0xFFFFFF50]  }
0x81: {  	v12 =	vld [tilespmem:s10+$0xFFFFFF60]  }
0x82: {  	v7 =	vld [tilespmem:s10+$0xFFFFFF10]  }
0x83: {  	v8 =	vld [tilespmem:s10+$0xFFFFFF20]  }
0x84: {  	v5 =	vld [tilespmem:s10+$0xFFFFFED0]  }
0x85: {  	v6 =	vld [tilespmem:s10+$0xFFFFFEE0]  }
0x86: {  	v4 =	vld [tilespmem:s10+$0xFFFFFE90]  }
0x87: {  	v10 =	vld [tilespmem:s10+$0xFFFFFEA0]  }
0x88: {  	v11 =	vld [tilespmem:s10+$0xFFFFFE50]  }
0x89: {  	v13 =	vld [tilespmem:s10+$0xFFFFFE60]  }
0x8a: {  	v14 =	vld [tilespmem:s10+$0xFFFFFE10]  }
0x8b: {  	v15 =	vld [tilespmem:s10+$0xFFFFFE20]  }
0x8c: {  	v16 =	vld [tilespmem:s10+$0xFFFFFE30]  }
0x8d: {  	v17 =	vld [tilespmem:s10+$0xFFFFFE40]  }
0x8e: {  	v18 =	vld [tilespmem:s10+$0xFFFFFE70]  }
0x8f: {  	v19 =	vld [tilespmem:s10+$0xFFFFFE80]  }
0x90: {  	v20 =	vimm.f32 $0.0e+00;
	v21 =	vld [tilespmem:s10+$0xFFFFFEB0]  }
0x91: {  	v22 =	vld [tilespmem:s10+$0xFFFFFEC0];
	v14 =	vadd.f32 v14, v20;
	v15 =	vadd.f32 v15, v20  }
0x92: {  	v59 =	vld [tilespmem:s10+$0xFFFFFEF0];
	v16 =	vadd.f32 v16, v20;
	v17 =	vadd.f32 v17, v20  }
0x93: {  	v11 =	vadd.f32 v11, v14;
	v13 =	vadd.f32 v13, v15;
	v14 =	vld [tilespmem:s10+$0xFFFFFF00]  }
0x94: {  	v61 =	vld [tilespmem:s10+$0xFFFFFF30];
	v15 =	vadd.f32 v18, v16;
	v60 =	vadd.f32 v19, v17  }
0x95: {  	v11 =	vadd.f32 v4, v11;
	v10 =	vadd.f32 v10, v13;
	v13 =	vld [tilespmem:s10+$0xFFFFFF40]  }
0x96: {  	v15 =	vadd.f32 v21, v15;
	v16 =	vadd.f32 v22, v60;
	v4 =	vld [tilespmem:s10+$0xFFFFFF70]  }
0x97: {  	v11 =	vadd.f32 v5, v11;
	v10 =	vadd.f32 v6, v10;
	v6 =	vld [tilespmem:s10+$0xFFFFFF80]  }
0x98: {  	v15 =	vadd.f32 v59, v15;
	v5 =	vld [tilespmem:s10+$0xFFFFFFB0];
	v14 =	vadd.f32 v14, v16  }
0x99: {  	v62 =	vadd.f32 v7, v11;
	v63 =	vadd.f32 v8, v10;
	v8 =	vld [tilespmem:s10+$0xFFFFFFC0]  }
0x9a: {  	v11 =	vadd.f32 v61, v15;
	v7 =	vld [tilespmem:s10+$0xFFFFFFF0];
	v10 =	vadd.f32 v13, v14  }
0x9b: {  	s0 =	simm.s32 $0x0;
	s9 =	simm.s32 $0x9FF0;
	v13 =	vadd.f32 v9, v62;
	v12 =	vadd.f32 v12, v63;
	v9 =	vld [tilespmem:s10+$0x0]  }
.LBB2_5:
0x9c: {  	v14 =	vld [tilespmem:s9+$0xFFFFFFD0];
	v4 =	vadd.f32 v4, v11;
	v6 =	vadd.f32 v6, v10  }
0x9d: {  	v10 =	vld [tilespmem:s9+$0xFFFFFFE0];
	v11 =	vadd.f32 v2, v13;
	v12 =	vadd.f32 v3, v12  }
0x9e: {  	v2 =	vld [tilespmem:s9+$0xFFFFFF90];
	v4 =	vadd.f32 v5, v4;
	v5 =	vadd.f32 v8, v6  }
0x9f: {  	v3 =	vld [tilespmem:s9+$0xFFFFFFA0];
	v6 =	vadd.f32 v0, v11;
	v8 =	vadd.f32 v1, v12  }
0xa0: {  	v12 =	vld [tilespmem:s9+$0xFFFFFF50];
	v4 =	vadd.f32 v7, v4;
	v5 =	vadd.f32 v9, v5  }
0xa1: {  	v9 =	vld [tilespmem:s9+$0xFFFFFF60];
	v0 =	vmov v14  }
0xa2: {  	v7 =	vld [tilespmem:s9+$0xFFFFFF10];
	v1 =	vmov v10  }
0xa3: {  	v10 =	vld [tilespmem:s9+$0xFFFFFF20]  }
0xa4: {  	v11 =	vld [tilespmem:s9+$0xFFFFFED0]  }
0xa5: {  	v13 =	vld [tilespmem:s9+$0xFFFFFEE0]  }
0xa6: {  	v14 =	vld [tilespmem:s9+$0xFFFFFE90]  }
0xa7: {  	v15 =	vld [tilespmem:s9+$0xFFFFFEA0]  }
0xa8: {  	v16 =	vld [tilespmem:s9+$0xFFFFFE50]  }
0xa9: {  	v17 =	vld [tilespmem:s9+$0xFFFFFE60]  }
0xaa: {  	v18 =	vld [tilespmem:s9+$0xFFFFFE10]  }
0xab: {  	v19 =	vld [tilespmem:s9+$0xFFFFFE20]  }
0xac: {  	v20 =	vld [tilespmem:s9+$0xFFFFFE30]  }
0xad: {  	s0 =	sadd.s32 $0x8, s0;
	v21 =	vld [tilespmem:s9+$0xFFFFFE40]  }
0xae: {  	p1 =	slt.u32 s0, $0xC8;
	v22 =	vld [tilespmem:s9+$0xFFFFFE70]  }
0xaf: {  	v23 =	vld [tilespmem:s9+$0xFFFFFE80]  }
0xb0: {  	v24 =	vld [tilespmem:s9+$0xFFFFFEB0]  }
0xb1: {  	v6 =	vadd.f32 v18, v6;
	v8 =	vadd.f32 v19, v8;
	v18 =	vld [tilespmem:s9+$0xFFFFFEC0]  }
0xb2: {  	v4 =	vadd.f32 v20, v4;
	v5 =	vadd.f32 v21, v5;
	v19 =	vld [tilespmem:s9+$0xFFFFFEF0]  }
0xb3: {  	v6 =	vadd.f32 v16, v6;
	v8 =	vadd.f32 v17, v8;
	v16 =	vld [tilespmem:s9+$0xFFFFFF00]  }
0xb4: {  	v4 =	vadd.f32 v22, v4;
	v5 =	vadd.f32 v23, v5;
	v17 =	vld [tilespmem:s9+$0xFFFFFF30]  }
0xb5: {  	v6 =	vadd.f32 v14, v6;
	v8 =	vadd.f32 v15, v8;
	v14 =	vld [tilespmem:s9+$0xFFFFFF40]  }
0xb6: {  	v15 =	vadd.f32 v24, v4;
	v5 =	vadd.f32 v18, v5;
	v4 =	vld [tilespmem:s9+$0xFFFFFF70]  }
.Ltmp3:
0xb7: {  	v11 =	vadd.f32 v11, v6;
	v8 =	vadd.f32 v13, v8;
	v6 =	vld [tilespmem:s9+$0xFFFFFF80];
	(pc) =	sbr.rel @p1 .LBB2_5-.Ltmp3, $4  }
0xb8: {  	v13 =	vadd.f32 v19, v15;
	v15 =	vadd.f32 v16, v5;
	v5 =	vld [tilespmem:s9+$0xFFFFFFB0]  }
0xb9: {  	v16 =	vadd.f32 v7, v11;
	v18 =	vadd.f32 v10, v8;
	v8 =	vld [tilespmem:s9+$0xFFFFFFC0]  }
0xba: {  	v11 =	vadd.f32 v17, v13;
	v10 =	vadd.f32 v14, v15;
	v7 =	vld [tilespmem:s9+$0xFFFFFFF0]  }
0xbb: {  	v13 =	vadd.f32 v12, v16;
	v12 =	vadd.f32 v9, v18;
	v9 =	vld [tilespmem:s9+$0x0];
	s9 =	sadd.s32 $0x200, s9  }
0xbc: {  	_ = 	snop  }
0xbd: {  	v4 =	vadd.f32 v4, v11;
	v2 =	vadd.f32 v2, v13  }
0xbe: {  	v6 =	vadd.f32 v6, v10;
	v3 =	vadd.f32 v3, v12  }
0xbf: {  	v4 =	vadd.f32 v5, v4;
	v0 =	vadd.f32 v0, v2  }
0xc0: {  	v2 =	vadd.f32 v8, v6;
	v1 =	vadd.f32 v1, v3  }
0xc1: {  	v3 =	vadd.f32 v7, v4;
	[tilespmem:s31+$0x13840] =	vst v0  }
0xc2: {  	v0 =	vadd.f32 v9, v2;
	[tilespmem:s31+$0x13850] =	vst v1  }
0xc3: {  	[tilespmem:s31+$0x13860] =	vst v3  }
0xc4: {  	s0 =	sadd.s32 @!p0 $0x410, s1;
	s9 =	simm.s32 @!p0 $0x68;
	s10 =	simm.s32 @!p0 $0x9C00;
	[tilespmem:s31+$0x13870] =	vst v0  }
0xc5: {  	[tilespmem:s10], [sflag:$0x2] =	stream.indirect.gather @!p0 [hbm4b:s3+s9], $0x40, s0, s9, $0xb8;
	[tilespmem:$0x15800] =	vst v63  }
0xc6: {  	s0 =	sadd.s32 @!p0 $0x478, s1;
	s10 =	simm.s32 @!p0 $0xB600  }
0xc7: {  	[tilespmem:s10], [sflag:$0x2] =	stream.indirect.gather @!p0 [hbm4b:s3+s9], $0x40, s0, s9, $0xb8;
	[tilespmem:$0x15800] =	vst v63  }
0xc8: {  	_ =	swait.ge [sflag:s25], $0x3400  }
0xc9: {  	[sflag:s25] =	ssyncset.done $0x0  }
0xca: {  	s10 =	simm.s32 $0xD000;
	[sflag:s25] =	ssyncadd.s32 $0xFFFFCC00  }
0xcb: {  	v0 =	vld [tilespmem:s10+$0x1C0]  }
0xcc: {  	v1 =	vld [tilespmem:s10+$0x1D0]  }
0xcd: {  	v2 =	vld [tilespmem:s10+$0x180]  }
0xce: {  	v3 =	vld [tilespmem:s10+$0x190]  }
0xcf: {  	v9 =	vld [tilespmem:s10+$0x140]  }
0xd0: {  	v12 =	vld [tilespmem:s10+$0x150]  }
0xd1: {  	v7 =	vld [tilespmem:s10+$0x100]  }
0xd2: {  	v8 =	vld [tilespmem:s10+$0x110]  }
0xd3: {  	v5 =	vld [tilespmem:s10+$0xC0]  }
0xd4: {  	v6 =	vld [tilespmem:s10+$0xD0]  }
0xd5: {  	v4 =	vld [tilespmem:s10+$0x80]  }
0xd6: {  	v10 =	vld [tilespmem:s10+$0x90]  }
0xd7: {  	v11 =	vld [tilespmem:s10+$0x40]  }
0xd8: {  	v13 =	vld [tilespmem:s10+$0x50]  }
0xd9: {  	v14 =	vld [tilespmem:s10+$0x0]  }
0xda: {  	v15 =	vld [tilespmem:s10+$0x10]  }
0xdb: {  	v16 =	vld [tilespmem:s10+$0x20]  }
0xdc: {  	v17 =	vld [tilespmem:s10+$0x30]  }
0xdd: {  	v18 =	vld [tilespmem:s10+$0x60]  }
0xde: {  	v19 =	vld [tilespmem:s10+$0x70]  }
0xdf: {  	v20 =	vimm.f32 $0.0e+00;
	v21 =	vld [tilespmem:s10+$0xA0]  }
0xe0: {  	v22 =	vld [tilespmem:s10+$0xB0];
	v14 =	vadd.f32 v14, v20;
	v15 =	vadd.f32 v15, v20  }
0xe1: {  	v59 =	vld [tilespmem:s10+$0xE0];
	v16 =	vadd.f32 v16, v20;
	v17 =	vadd.f32 v17, v20  }
0xe2: {  	v11 =	vadd.f32 v11, v14;
	v13 =	vadd.f32 v13, v15;
	v14 =	vld [tilespmem:s10+$0xF0]  }
0xe3: {  	v61 =	vld [tilespmem:s10+$0x120];
	v15 =	vadd.f32 v18, v16;
	v60 =	vadd.f32 v19, v17  }
0xe4: {  	v11 =	vadd.f32 v4, v11;
	v10 =	vadd.f32 v10, v13;
	v13 =	vld [tilespmem:s10+$0x130]  }
0xe5: {  	v15 =	vadd.f32 v21, v15;
	v16 =	vadd.f32 v22, v60;
	v4 =	vld [tilespmem:s10+$0x160]  }
0xe6: {  	v11 =	vadd.f32 v5, v11;
	v10 =	vadd.f32 v6, v10;
	v6 =	vld [tilespmem:s10+$0x170]  }
0xe7: {  	v15 =	vadd.f32 v59, v15;
	v5 =	vld [tilespmem:s10+$0x1A0];
	v14 =	vadd.f32 v14, v16  }
0xe8: {  	v62 =	vadd.f32 v7, v11;
	v63 =	vadd.f32 v8, v10;
	v8 =	vld [tilespmem:s10+$0x1B0]  }
0xe9: {  	v11 =	vadd.f32 v61, v15;
	v7 =	vld [tilespmem:s10+$0x1E0];
	v10 =	vadd.f32 v13, v14  }
0xea: {  	s0 =	simm.s32 $0x0;
	s9 =	simm.s32 $0xD200;
	v13 =	vadd.f32 v9, v62;
	v12 =	vadd.f32 v12, v63;
	v9 =	vld [tilespmem:s10+$0x1F0]  }
.LBB2_7:
0xeb: {  	v14 =	vld [tilespmem:s9+$0x1C0];
	v4 =	vadd.f32 v4, v11;
	v6 =	vadd.f32 v6, v10  }
0xec: {  	v10 =	vld [tilespmem:s9+$0x1D0];
	v11 =	vadd.f32 v2, v13;
	v12 =	vadd.f32 v3, v12  }
0xed: {  	v2 =	vld [tilespmem:s9+$0x180];
	v4 =	vadd.f32 v5, v4;
	v5 =	vadd.f32 v8, v6  }
0xee: {  	v3 =	vld [tilespmem:s9+$0x190];
	v6 =	vadd.f32 v0, v11;
	v8 =	vadd.f32 v1, v12  }
0xef: {  	v12 =	vld [tilespmem:s9+$0x140];
	v4 =	vadd.f32 v7, v4;
	v5 =	vadd.f32 v9, v5  }
0xf0: {  	v9 =	vld [tilespmem:s9+$0x150];
	v0 =	vmov v14  }
0xf1: {  	v7 =	vld [tilespmem:s9+$0x100];
	v1 =	vmov v10  }
0xf2: {  	v10 =	vld [tilespmem:s9+$0x110]  }
0xf3: {  	v11 =	vld [tilespmem:s9+$0xC0]  }
0xf4: {  	v13 =	vld [tilespmem:s9+$0xD0]  }
0xf5: {  	v14 =	vld [tilespmem:s9+$0x80]  }
0xf6: {  	v15 =	vld [tilespmem:s9+$0x90]  }
0xf7: {  	v16 =	vld [tilespmem:s9+$0x40]  }
0xf8: {  	v17 =	vld [tilespmem:s9+$0x50]  }
0xf9: {  	v18 =	vld [tilespmem:s9+$0x0]  }
0xfa: {  	v19 =	vld [tilespmem:s9+$0x10]  }
0xfb: {  	v20 =	vld [tilespmem:s9+$0x20]  }
0xfc: {  	s0 =	sadd.s32 $0x8, s0;
	v21 =	vld [tilespmem:s9+$0x30]  }
0xfd: {  	p1 =	slt.u32 s0, $0xC8;
	v22 =	vld [tilespmem:s9+$0x60]  }
0xfe: {  	v23 =	vld [tilespmem:s9+$0x70]  }
0xff: {  	v24 =	vld [tilespmem:s9+$0xA0]  }
0x100: {  	v6 =	vadd.f32 v18, v6;
	v8 =	vadd.f32 v19, v8;
	v18 =	vld [tilespmem:s9+$0xB0]  }
0x101: {  	v4 =	vadd.f32 v20, v4;
	v5 =	vadd.f32 v21, v5;
	v19 =	vld [tilespmem:s9+$0xE0]  }
0x102: {  	v6 =	vadd.f32 v16, v6;
	v8 =	vadd.f32 v17, v8;
	v16 =	vld [tilespmem:s9+$0xF0]  }
0x103: {  	v4 =	vadd.f32 v22, v4;
	v5 =	vadd.f32 v23, v5;
	v17 =	vld [tilespmem:s9+$0x120]  }
0x104: {  	v6 =	vadd.f32 v14, v6;
	v8 =	vadd.f32 v15, v8;
	v14 =	vld [tilespmem:s9+$0x130]  }
0x105: {  	v15 =	vadd.f32 v24, v4;
	v5 =	vadd.f32 v18, v5;
	v4 =	vld [tilespmem:s9+$0x160]  }
.Ltmp4:
0x106: {  	v11 =	vadd.f32 v11, v6;
	v8 =	vadd.f32 v13, v8;
	v6 =	vld [tilespmem:s9+$0x170];
	(pc) =	sbr.rel @p1 .LBB2_7-.Ltmp4, $4  }
0x107: {  	v13 =	vadd.f32 v19, v15;
	v15 =	vadd.f32 v16, v5;
	v5 =	vld [tilespmem:s9+$0x1A0]  }
0x108: {  	v16 =	vadd.f32 v7, v11;
	v18 =	vadd.f32 v10, v8;
	v8 =	vld [tilespmem:s9+$0x1B0]  }
0x109: {  	v11 =	vadd.f32 v17, v13;
	v10 =	vadd.f32 v14, v15;
	v7 =	vld [tilespmem:s9+$0x1E0]  }
0x10a: {  	v13 =	vadd.f32 v12, v16;
	v12 =	vadd.f32 v9, v18;
	v9 =	vld [tilespmem:s9+$0x1F0];
	s9 =	sadd.s32 $0x200, s9  }
0x10b: {  	_ = 	snop  }
0x10c: {  	v4 =	vadd.f32 v4, v11;
	v2 =	vadd.f32 v2, v13  }
0x10d: {  	v6 =	vadd.f32 v6, v10;
	v3 =	vadd.f32 v3, v12  }
0x10e: {  	v4 =	vadd.f32 v5, v4;
	v0 =	vadd.f32 v0, v2  }
0x10f: {  	v2 =	vadd.f32 v8, v6;
	v1 =	vadd.f32 v1, v3  }
0x110: {  	v3 =	vadd.f32 v7, v4;
	[tilespmem:s31+$0x13880] =	vst v0  }
0x111: {  	v0 =	vadd.f32 v9, v2;
	[tilespmem:s31+$0x13890] =	vst v1  }
0x112: {  	[tilespmem:s31+$0x138A0] =	vst v3  }
0x113: {  	s0 =	sadd.s32 @!p0 $0x4E0, s1;
	s9 =	simm.s32 @!p0 $0x68;
	s10 =	simm.s32 @!p0 $0xD000;
	[tilespmem:s31+$0x138B0] =	vst v0  }
0x114: {  	[tilespmem:s10], [sflag:$0x3] =	stream.indirect.gather @!p0 [hbm4b:s3+s9], $0x40, s0, s9, $0xb8;
	[tilespmem:$0x15800] =	vst v63  }
0x115: {  	s0 =	sadd.s32 @!p0 $0x548, s1;
	s1 =	simm.s32 @!p0 $0xEA00  }
0x116: {  	[tilespmem:s1], [sflag:$0x3] =	stream.indirect.gather @!p0 [hbm4b:s3+s9], $0x40, s0, s9, $0xb8;
	[tilespmem:$0x15800] =	vst v63  }
0x117: {  	_ =	swait.ge [sflag:s26], $0x3400  }
0x118: {  	[sflag:s26] =	ssyncset.done $0x0  }
0x119: {  	s10 =	simm.s32 $0x10400;
	[sflag:s26] =	ssyncadd.s32 $0xFFFFCC00  }
0x11a: {  	v0 =	vld [tilespmem:s10+$0x1C0]  }
0x11b: {  	v1 =	vld [tilespmem:s10+$0x1D0]  }
0x11c: {  	v2 =	vld [tilespmem:s10+$0x180]  }
0x11d: {  	v3 =	vld [tilespmem:s10+$0x190]  }
0x11e: {  	v9 =	vld [tilespmem:s10+$0x140]  }
0x11f: {  	v12 =	vld [tilespmem:s10+$0x150]  }
0x120: {  	v7 =	vld [tilespmem:s10+$0x100]  }
0x121: {  	v8 =	vld [tilespmem:s10+$0x110]  }
0x122: {  	v5 =	vld [tilespmem:s10+$0xC0]  }
0x123: {  	v6 =	vld [tilespmem:s10+$0xD0]  }
0x124: {  	v4 =	vld [tilespmem:s10+$0x80]  }
0x125: {  	v10 =	vld [tilespmem:s10+$0x90]  }
0x126: {  	v11 =	vld [tilespmem:s10+$0x40]  }
0x127: {  	v13 =	vld [tilespmem:s10+$0x50]  }
0x128: {  	v14 =	vld [tilespmem:s10+$0x0]  }
0x129: {  	v15 =	vld [tilespmem:s10+$0x10]  }
0x12a: {  	v16 =	vld [tilespmem:s10+$0x20]  }
0x12b: {  	v17 =	vld [tilespmem:s10+$0x30]  }
0x12c: {  	v18 =	vld [tilespmem:s10+$0x60]  }
0x12d: {  	v19 =	vld [tilespmem:s10+$0x70]  }
0x12e: {  	v20 =	vimm.f32 $0.0e+00;
	v21 =	vld [tilespmem:s10+$0xA0]  }
0x12f: {  	v22 =	vld [tilespmem:s10+$0xB0];
	v14 =	vadd.f32 v14, v20;
	v15 =	vadd.f32 v15, v20  }
0x130: {  	v59 =	vld [tilespmem:s10+$0xE0];
	v16 =	vadd.f32 v16, v20;
	v17 =	vadd.f32 v17, v20  }
0x131: {  	v11 =	vadd.f32 v11, v14;
	v13 =	vadd.f32 v13, v15;
	v14 =	vld [tilespmem:s10+$0xF0]  }
0x132: {  	v61 =	vld [tilespmem:s10+$0x120];
	v15 =	vadd.f32 v18, v16;
	v60 =	vadd.f32 v19, v17  }
0x133: {  	v11 =	vadd.f32 v4, v11;
	v10 =	vadd.f32 v10, v13;
	v13 =	vld [tilespmem:s10+$0x130]  }
0x134: {  	v15 =	vadd.f32 v21, v15;
	v16 =	vadd.f32 v22, v60;
	v4 =	vld [tilespmem:s10+$0x160]  }
0x135: {  	v11 =	vadd.f32 v5, v11;
	v10 =	vadd.f32 v6, v10;
	v6 =	vld [tilespmem:s10+$0x170]  }
0x136: {  	v15 =	vadd.f32 v59, v15;
	v5 =	vld [tilespmem:s10+$0x1A0];
	v14 =	vadd.f32 v14, v16  }
0x137: {  	v62 =	vadd.f32 v7, v11;
	v63 =	vadd.f32 v8, v10;
	v8 =	vld [tilespmem:s10+$0x1B0]  }
0x138: {  	v11 =	vadd.f32 v61, v15;
	v7 =	vld [tilespmem:s10+$0x1E0];
	v10 =	vadd.f32 v13, v14  }
0x139: {  	s0 =	simm.s32 $0x0;
	s1 =	simm.s32 $0x10600;
	v13 =	vadd.f32 v9, v62;
	v12 =	vadd.f32 v12, v63;
	v9 =	vld [tilespmem:s10+$0x1F0]  }
.LBB2_9:
0x13a: {  	v14 =	vld [tilespmem:s1+$0x1C0];
	v4 =	vadd.f32 v4, v11;
	v6 =	vadd.f32 v6, v10  }
0x13b: {  	v10 =	vld [tilespmem:s1+$0x1D0];
	v11 =	vadd.f32 v2, v13;
	v12 =	vadd.f32 v3, v12  }
0x13c: {  	v2 =	vld [tilespmem:s1+$0x180];
	v4 =	vadd.f32 v5, v4;
	v5 =	vadd.f32 v8, v6  }
0x13d: {  	v3 =	vld [tilespmem:s1+$0x190];
	v6 =	vadd.f32 v0, v11;
	v8 =	vadd.f32 v1, v12  }
0x13e: {  	v12 =	vld [tilespmem:s1+$0x140];
	v4 =	vadd.f32 v7, v4;
	v5 =	vadd.f32 v9, v5  }
0x13f: {  	v9 =	vld [tilespmem:s1+$0x150];
	v0 =	vmov v14  }
0x140: {  	v7 =	vld [tilespmem:s1+$0x100];
	v1 =	vmov v10  }
0x141: {  	v10 =	vld [tilespmem:s1+$0x110]  }
0x142: {  	v11 =	vld [tilespmem:s1+$0xC0]  }
0x143: {  	v13 =	vld [tilespmem:s1+$0xD0]  }
0x144: {  	v14 =	vld [tilespmem:s1+$0x80]  }
0x145: {  	v15 =	vld [tilespmem:s1+$0x90]  }
0x146: {  	v16 =	vld [tilespmem:s1+$0x40]  }
0x147: {  	v17 =	vld [tilespmem:s1+$0x50]  }
0x148: {  	v18 =	vld [tilespmem:s1+$0x0]  }
0x149: {  	v19 =	vld [tilespmem:s1+$0x10]  }
0x14a: {  	v20 =	vld [tilespmem:s1+$0x20]  }
0x14b: {  	s0 =	sadd.s32 $0x8, s0;
	v21 =	vld [tilespmem:s1+$0x30]  }
0x14c: {  	p1 =	slt.u32 s0, $0xC8;
	v22 =	vld [tilespmem:s1+$0x60]  }
0x14d: {  	v23 =	vld [tilespmem:s1+$0x70]  }
0x14e: {  	v24 =	vld [tilespmem:s1+$0xA0]  }
0x14f: {  	v6 =	vadd.f32 v18, v6;
	v8 =	vadd.f32 v19, v8;
	v18 =	vld [tilespmem:s1+$0xB0]  }
0x150: {  	v4 =	vadd.f32 v20, v4;
	v5 =	vadd.f32 v21, v5;
	v19 =	vld [tilespmem:s1+$0xE0]  }
0x151: {  	v6 =	vadd.f32 v16, v6;
	v8 =	vadd.f32 v17, v8;
	v16 =	vld [tilespmem:s1+$0xF0]  }
0x152: {  	v4 =	vadd.f32 v22, v4;
	v5 =	vadd.f32 v23, v5;
	v17 =	vld [tilespmem:s1+$0x120]  }
0x153: {  	v6 =	vadd.f32 v14, v6;
	v8 =	vadd.f32 v15, v8;
	v14 =	vld [tilespmem:s1+$0x130]  }
0x154: {  	v15 =	vadd.f32 v24, v4;
	v5 =	vadd.f32 v18, v5;
	v4 =	vld [tilespmem:s1+$0x160]  }
.Ltmp5:
0x155: {  	v11 =	vadd.f32 v11, v6;
	v8 =	vadd.f32 v13, v8;
	v6 =	vld [tilespmem:s1+$0x170];
	(pc) =	sbr.rel @p1 .LBB2_9-.Ltmp5, $4  }
0x156: {  	v13 =	vadd.f32 v19, v15;
	v15 =	vadd.f32 v16, v5;
	v5 =	vld [tilespmem:s1+$0x1A0]  }
0x157: {  	v16 =	vadd.f32 v7, v11;
	v18 =	vadd.f32 v10, v8;
	v8 =	vld [tilespmem:s1+$0x1B0]  }
0x158: {  	v11 =	vadd.f32 v17, v13;
	v10 =	vadd.f32 v14, v15;
	v7 =	vld [tilespmem:s1+$0x1E0]  }
0x159: {  	v13 =	vadd.f32 v12, v16;
	v12 =	vadd.f32 v9, v18;
	v9 =	vld [tilespmem:s1+$0x1F0];
	s1 =	sadd.s32 $0x200, s1  }
0x15a: {  	_ = 	snop  }
0x15b: {  	v4 =	vadd.f32 v4, v11;
	v2 =	vadd.f32 v2, v13  }
0x15c: {  	v6 =	vadd.f32 v6, v10;
	v3 =	vadd.f32 v3, v12  }
0x15d: {  	v4 =	vadd.f32 v5, v4;
	v0 =	vadd.f32 v0, v2  }
.Ltmp6:
0x15e: {  	v61 =	vadd.f32 v8, v6;
	v1 =	vadd.f32 v1, v3;
	(pc) =	sbr.rel @p0 .LBB2_12-.Ltmp6, $4  }
0x15f: {  	v62 =	vadd.f32 v7, v4;
	[tilespmem:s31+$0x138C0] =	vst v0  }
0x160: {  	v63 =	vadd.f32 v9, v61;
	[tilespmem:s31+$0x138D0] =	vst v1  }
0x161: {  	[tilespmem:s31+$0x138E0] =	vst v62  }
0x162: {  	[tilespmem:s31+$0x138F0] =	vst v63  }
0x163: {  	s0 =	smul.u32 $0xD00, s30;
	_ =	sdelay $0x1  }
.Ltmp7:
0x164: {  	s0 =	sshra.s32 s0, $0x2;
	(pc) =	sbr.rel .LBB2_2-.Ltmp7, $4  }
0x165: {  	s1 =	sadd.s32 $0x5B0, s0  }
0x166: {  	[tilespmem:s20], [sflag:$0x4] =	stream.indirect.gather [hbm4b:s3+s8], $0x40, s1, s8, $0xb8;
	[tilespmem:$0x15800] =	vst v63  }
0x167: {  	s30 =	sadd.s32 $0x1, s30;
	s0 =	sadd.s32 $0x618, s0  }
0x168: {  	[tilespmem:s22], [sflag:$0x4] =	stream.indirect.gather [hbm4b:s3+s8], $0x40, s0, s8, $0xb8;
	[tilespmem:$0x15800] =	vst v63  }
.LBB2_13:
0x169: {  	_ =	sfence.sel $0x180000  }
0x16a: {  	[bflag:$0x0] =	sbarrier.arrive $0xFFFF  }
0x16b: {  	_ =	strace $0x90000047  }
0x16c: {  	s0 =	stileid.u32;
	[bflag:$0x2] =	sbarrier.arrive $0xFFFF  }
0x16d: {  	p0 =	sne.s32 s0, $0x0;
	s0 =	rddreg [dreg:$0x2]  }
0x16e: {  	s0 =	sadd.s32 @!p0 $0x100000, s0  }
0x16f: {  	[sflag:s0] =	ssyncadd.tile.s32 @!p0 $0x1;
	_ =	shalt  }
.Lfunc_end2:
_tile_overlayer_lowered:
.L_overlay_start_2:
0x170: {  	(tag) =	ssettag $0x2  }
0x171: {  	s0 =	rddreg [dreg:$0x0];
	s2 =	stileid.u32  }
0x172: {  	s1 =	rddreg [dreg:$0x1];
	p0 =	sne.s32 s2, $0x0  }
0x173: {  	s3 =	rddreg [dreg:$0x2];
	[bflag:$0x3] =	sbarrier.arrive $0xFFFF;
	s2 =	simm.s32 @!p0 $0x1C05  }
0x174: {  	[timem:s3], [sflag:s2] =	dma.local @!p0 [hbm:s0], s1  }
0x175: {  	s0 =	simm.s32 @!p0 $0x5  }
0x176: {  	_ =	swait.ge @!p0 [sflag:s0], s1  }
0x177: {  	s1 =	ssub.s32 @!p0 $0x0, s1;
	[sflag:s0] =	ssyncset.done @!p0 $0x0  }
0x178: {  	[sflag:s0] =	ssyncadd.s32 @!p0 s1  }
0x179: {  	[bflag:$0x3] =	sbarrier.arrive $0xFFFF  }
0x17a: {  	_ =	shalt  }

</sc_bundles>
